<compile_context>
chip_gen: v7x
topology: tpu7x:2x2x1
jax: 0.10.2.dev20260603
libtpu: 0.0.44.dev20260713+nightly
codegen_flags: <defaults>
</compile_context>

<pallas_src>
import functools

import jax
import jax.numpy as jnp
from jax import lax
from jax.experimental import pallas as pl
from jax.experimental.pallas import tpu as pltpu
from jax.experimental.pallas import tpu_sc as plsc

_D = 441
_B, _C, _T = 32, 2, 16384
_L = 16
_NB = _T // 128
_ROW = _C * _T
_PADB = 4
_PADW = _PADB * _C * 128
_PADT = _PADB * 128
_NCHUNK = 1
_CBLK = _NB // _NCHUNK
_CW = _CBLK * _C * 128
_CIT = _CBLK * 128 // _L


def _flanger_body(x_hbm, mod_hbm, out_hbm, x_v, m_v, o_v, idx_v,
                  sem_mod, sem_in, sem_out):
    b = lax.axis_index("s") * 2 + lax.axis_index("c")

    lane = lax.iota(jnp.int32, _L)
    mrow0 = (b // 8) * 1024 + b % 8
    lane8 = lane * 8
    for j0 in range(_NB // _L):
        idx_v[pl.ds(j0 * _L, _L)] = (mrow0 + j0 * (_L * 8)) + lane8
    mod_cp = pltpu.async_copy(mod_hbm.at[idx_v], m_v, sem_mod)

    in_cps = []
    for c in range(_NCHUNK):
        in_cps.append(pltpu.async_copy(
            x_hbm.at[b, pl.ds(c * _CW, _CW)],
            x_v.at[pl.ds(_PADW + c * _CW, _CW)], sem_in))

    zeros = jnp.zeros((_L,), jnp.float32)
    for j in range(_PADW // _L):
        x_v[pl.ds(j * _L, _L)] = zeros

    mod_cp.wait()

    out_cps = []
    for c in range(_NCHUNK):
        in_cps[c].wait()

        @plsc.parallel_loop(c * _CIT, (c + 1) * _CIT, unroll=4)
        def body(it):
            t0 = it * _L
            jblk = it // (128 // _L)
            k0 = (it % (128 // _L)) * _L
            off0 = jblk * 256 + k0
            tv = t0 + lane
            mv = m_v[jblk, pl.ds(k0, _L)]
            u = tv.astype(jnp.float32) + (
                jnp.float32(_PADT) - jnp.float32(_D) * mv)
            iu = u.astype(jnp.int32)
            frac = u - iu.astype(jnp.float32)
            dp = iu - tv - _PADT
            wp = lax.shift_right_arithmetic(dp, 31)
            gp = iu - _D - _D * wp
            wn = lax.shift_right_arithmetic(dp + 1, 31)
            gn = iu + 1 - _D - _D * wn
            ap0 = gp + gp - (gp & 127)
            an0 = gn + gn - (gn & 127)
            ap1 = ap0 + 128
            an1 = an0 + 128
            pv0 = plsc.load_gather(x_v, [ap0])
            nv0 = plsc.load_gather(x_v, [an0])
            pv1 = plsc.load_gather(x_v, [ap1])
            nv1 = plsc.load_gather(x_v, [an1])
            omf = 1.0 - frac
            x0 = x_v[pl.ds(_PADW + off0, _L)]
            x1 = x_v[pl.ds(_PADW + off0 + 128, _L)]
            o_v[pl.ds(off0, _L)] = x0 + frac * nv0 + omf * pv0
            o_v[pl.ds(off0 + 128, _L)] = x1 + frac * nv1 + omf * pv1

        out_cps.append(pltpu.async_copy(
            o_v.at[pl.ds(c * _CW, _CW)],
            out_hbm.at[b, pl.ds(c * _CW, _CW)], sem_out))

    for cp in out_cps:
        cp.wait()


@jax.jit
def _flanger(x, mod_sig):
    xl = x.reshape(_B, _C, _NB, 128).transpose(0, 2, 1, 3).reshape(_B, _ROW)
    ml = mod_sig.reshape(4, 8, _NB, 128).transpose(0, 2, 1, 3)
    ml = ml.reshape(4 * _NB * 8, 128)

    mesh = plsc.VectorSubcoreMesh(core_axis_name="c", subcore_axis_name="s")
    fn = functools.partial(
        pl.kernel,
        mesh=mesh,
        compiler_params=pltpu.CompilerParams(
            needs_layout_passes=False, use_tc_tiling_on_sc=False
        ),
        out_type=jax.ShapeDtypeStruct((_B, _ROW), jnp.float32),
        scratch_types=[
            pltpu.VMEM((_PADW + _ROW,), jnp.float32),
            pltpu.VMEM((_NB, 128), jnp.float32),
            pltpu.VMEM((_ROW,), jnp.float32),
            pltpu.VMEM((_NB,), jnp.int32),
            pltpu.SemaphoreType.DMA,
            pltpu.SemaphoreType.DMA,
            pltpu.SemaphoreType.DMA,
        ],
    )(_flanger_body)
    ol = fn(xl, ml)
    return ol.reshape(_B, _NB, _C, 128).transpose(0, 2, 1, 3).reshape(
        _B, _C, _T)


def kernel(x, mod_sig):
    return _flanger(x, mod_sig)

# --- scband reference (transcript-rebuilt; emitter-appended) ---
"""Pipeline reference for scband-flanger-module-33457795236493 (READ-ONLY COPY).

The authoritative reference and input builder live on the scoring server;
editing this copy changes nothing except your own understanding.
"""

import jax, jax.numpy as jnp
import numpy as np

MAX_DELAY_SAMPLES = int(10.0 / 1000.0 * 44100 + 0.5)  # 441
FEEDBACK = 0.0
WIDTH = 1.0
DEPTH = 1.0
MIX = 1.0


def setup_inputs(seed: int = 0) -> dict:
    key = jax.random.key(seed)
    k1, k2 = jax.random.split(key)
    x = jax.random.normal(k1, (32, 2, 16384), dtype=jnp.float32)
    mod_sig = jax.random.uniform(k2, (32, 16384), dtype=jnp.float32)
    return {"x": x, "mod_sig": mod_sig}


def reference(x, mod_sig):
    B, C, T = x.shape
    D = MAX_DELAY_SAMPLES
    mod = jnp.broadcast_to(mod_sig[:, None, :], (B, C, T))
    xs_t = jnp.moveaxis(x, -1, 0)          # [T, B, C]
    mod_t = jnp.moveaxis(mod, -1, 0)       # [T, B, C]
    write_idxs = (jnp.arange(T) % D).astype(jnp.int32)

    def step(delay_buf, inp):
        audio_val, mod_val, w_idx = inp
        delay_samples = D * WIDTH * mod_val
        delay_read_idx = (w_idx.astype(jnp.float32) - delay_samples + D) % D
        frac = delay_read_idx - jnp.floor(delay_read_idx)
        prev_idx = jnp.floor(delay_read_idx).astype(jnp.int32)[..., None]
        next_idx = (prev_idx + 1) % D
        prev_val = jnp.take_along_axis(delay_buf, prev_idx, axis=-1).squeeze(-1)
        next_val = jnp.take_along_axis(delay_buf, next_idx, axis=-1).squeeze(-1)
        interp_val = frac * next_val + (1.0 - frac) * prev_val
        delay_buf = delay_buf.at[:, :, w_idx].set(audio_val + FEEDBACK * interp_val)
        out = audio_val + DEPTH * interp_val
        return delay_buf, out

    init_buf = jnp.zeros((B, C, D), dtype=x.dtype)
    _, outs = jax.lax.scan(step, init_buf, (xs_t, mod_t, write_idxs))
    out_buf = jnp.moveaxis(outs, 0, -1)    # [B, C, T]
    return (1.0 - MIX) * x + MIX * out_buf

if __name__ == "__main__":
    import jax
    _d = setup_inputs()
    print(jax.jit(kernel)(*tuple(_d.values())))

</pallas_src>

<mosaic_0001>
#map = affine_map<(d0, d1) -> (0, 0)>
module attributes {stable_mosaic.version = 14 : i64} {
  func.func @_flanger_body(%arg0: i32, %arg1: i32, %arg2: memref<32x32768xf32, #tpu.memory_space<hbm>>, %arg3: memref<4096x128xf32, #tpu.memory_space<hbm>>, %arg4: memref<32x32768xf32, #tpu.memory_space<hbm>>, %arg5: memref<33792xf32, #tpu.memory_space<vmem>>, %arg6: memref<128x128xf32, #tpu.memory_space<vmem>>, %arg7: memref<32768xf32, #tpu.memory_space<vmem>>, %arg8: memref<128xi32, #tpu.memory_space<vmem>>, %arg9: memref<!tpu.dma_semaphore, #tpu.memory_space<semaphore_mem>>, %arg10: memref<!tpu.dma_semaphore, #tpu.memory_space<semaphore_mem>>, %arg11: memref<!tpu.dma_semaphore, #tpu.memory_space<semaphore_mem>>) attributes {dimension_semantics = [#tpu.dimension_semantics<core_parallel>, #tpu.dimension_semantics<subcore_parallel>], iteration_bounds = array<i64: 2, 16>, scalar_prefetch = 0 : i64, scratch_operands = 7 : i64, tpu.core_type = #tpu.core_type<sc_vector_subcore>, window_params = [{transform_indices = #map}, {transform_indices = #map}, {transform_indices = #map}]} {
    %mul3A = arith.constant 2 : i32
    %mul3A_0 = arith.muli %arg1, %mul3A : i32
    %add3A = arith.addi %mul3A_0, %arg0 : i32
    %iota3A = tpu.iota {dimensions = array<i32: 0>} : vector<16xi32>
    %jit3A = arith.constant 8 : i32
    %div3A = arith.divsi %add3A, %jit3A : i32
    %sign3A = arith.constant 0 : i32
    %sign3A_1 = arith.cmpi sgt, %add3A, %sign3A : i32
    %sign3A_2 = arith.extui %sign3A_1 : i1 to i32
    %sign3A_3 = arith.constant 0 : i32
    %sign3A_4 = arith.cmpi slt, %add3A, %sign3A_3 : i32
    %sign3A_5 = arith.extui %sign3A_4 : i1 to i32
    %sign3A_6 = arith.subi %sign3A_2, %sign3A_5 : i32
    %sign3A_7 = arith.constant 0 : i32
    %sign3A_8 = arith.cmpi sgt, %jit3A, %sign3A_7 : i32
    %sign3A_9 = arith.extui %sign3A_8 : i1 to i32
    %sign3A_10 = arith.constant 0 : i32
    %sign3A_11 = arith.cmpi slt, %jit3A, %sign3A_10 : i32
    %sign3A_12 = arith.extui %sign3A_11 : i1 to i32
    %sign3A_13 = arith.subi %sign3A_9, %sign3A_12 : i32
    %ne3A = arith.cmpi ne, %sign3A_6, %sign3A_13 : i32
    %rem3A = arith.remsi %add3A, %jit3A : i32
    %ne3A_14 = arith.constant 0 : i32
    %ne3A_15 = arith.cmpi ne, %rem3A, %ne3A_14 : i32
    %and3A = arith.andi %ne3A, %ne3A_15 : i1
    %sub3A = arith.constant 1 : i32
    %sub3A_16 = arith.subi %div3A, %sub3A : i32
    %select_n3A = arith.select %and3A, %sub3A_16, %div3A : i32
    %mul3A_17 = arith.constant 1024 : i32
    %mul3A_18 = arith.muli %select_n3A, %mul3A_17 : i32
    %jit3A_19 = arith.constant 8 : i32
    %eq3A = arith.constant 0 : i32
    %eq3A_20 = arith.cmpi eq, %jit3A_19, %eq3A : i32
    %jit3A_21 = arith.constant 1 : i32
    %select_n3A_22 = arith.select %eq3A_20, %jit3A_21, %jit3A_19 : i32
    %rem3A_23 = arith.remsi %add3A, %select_n3A_22 : i32
    %ne3A_24 = arith.constant 0 : i32
    %ne3A_25 = arith.cmpi ne, %rem3A_23, %ne3A_24 : i32
    %lt3A = arith.constant 0 : i32
    %lt3A_26 = arith.cmpi slt, %rem3A_23, %lt3A : i32
    %lt3A_27 = arith.constant 0 : i32
    %lt3A_28 = arith.cmpi slt, %select_n3A_22, %lt3A_27 : i32
    %ne3A_29 = arith.xori %lt3A_26, %lt3A_28 : i1
    %and3A_30 = arith.andi %ne3A_29, %ne3A_25 : i1
    %add3A_31 = arith.addi %rem3A_23, %select_n3A_22 : i32
    %select_n3A_32 = arith.select %and3A_30, %add3A_31, %rem3A_23 : i32
    %add3A_33 = arith.addi %mul3A_18, %select_n3A_32 : i32
    %mul3A_34 = arith.constant 8 : i32
    %mul3A_35 = vector.broadcast %mul3A_34 : i32 to vector<16xi32>
    %mul3A_36 = arith.muli %iota3A, %mul3A_35 : vector<16xi32>
    %add3A_37 = arith.constant 0 : i32
    %add3A_38 = arith.addi %add3A_33, %add3A_37 : i32
    %add3A_39 = vector.broadcast %add3A_38 : i32 to vector<16xi32>
    %add3A_40 = arith.addi %add3A_39, %mul3A_36 : vector<16xi32>
    %swap3A = arith.constant 0 : index
    %swap3A_41 = tpu.vector_load %arg8[%swap3A] {strides = array<i32>} : memref<128xi32, #tpu.memory_space<vmem>>, vector<16xi32>,
    tpu.vector_store %arg8[%swap3A], %add3A_40 {strides = array<i32>} : memref<128xi32, #tpu.memory_space<vmem>>, vector<16xi32>,
    %add3A_42 = arith.constant 128 : i32
    %add3A_43 = arith.addi %add3A_33, %add3A_42 : i32
    %add3A_44 = vector.broadcast %add3A_43 : i32 to vector<16xi32>
    %add3A_45 = arith.addi %add3A_44, %mul3A_36 : vector<16xi32>
    %swap3A_46 = arith.constant 16 : index
    %swap3A_47 = tpu.vector_load %arg8[%swap3A_46] {strides = array<i32>} : memref<128xi32, #tpu.memory_space<vmem>>, vector<16xi32>,
    tpu.vector_store %arg8[%swap3A_46], %add3A_45 {strides = array<i32>} : memref<128xi32, #tpu.memory_space<vmem>>, vector<16xi32>,
    %add3A_48 = arith.constant 256 : i32
    %add3A_49 = arith.addi %add3A_33, %add3A_48 : i32
    %add3A_50 = vector.broadcast %add3A_49 : i32 to vector<16xi32>
    %add3A_51 = arith.addi %add3A_50, %mul3A_36 : vector<16xi32>
    %swap3A_52 = arith.constant 32 : index
    %swap3A_53 = tpu.vector_load %arg8[%swap3A_52] {strides = array<i32>} : memref<128xi32, #tpu.memory_space<vmem>>, vector<16xi32>,
    tpu.vector_store %arg8[%swap3A_52], %add3A_51 {strides = array<i32>} : memref<128xi32, #tpu.memory_space<vmem>>, vector<16xi32>,
    %add3A_54 = arith.constant 384 : i32
    %add3A_55 = arith.addi %add3A_33, %add3A_54 : i32
    %add3A_56 = vector.broadcast %add3A_55 : i32 to vector<16xi32>
    %add3A_57 = arith.addi %add3A_56, %mul3A_36 : vector<16xi32>
    %swap3A_58 = arith.constant 48 : index
    %swap3A_59 = tpu.vector_load %arg8[%swap3A_58] {strides = array<i32>} : memref<128xi32, #tpu.memory_space<vmem>>, vector<16xi32>,
    tpu.vector_store %arg8[%swap3A_58], %add3A_57 {strides = array<i32>} : memref<128xi32, #tpu.memory_space<vmem>>, vector<16xi32>,
    %add3A_60 = arith.constant 512 : i32
    %add3A_61 = arith.addi %add3A_33, %add3A_60 : i32
    %add3A_62 = vector.broadcast %add3A_61 : i32 to vector<16xi32>
    %add3A_63 = arith.addi %add3A_62, %mul3A_36 : vector<16xi32>
    %swap3A_64 = arith.constant 64 : index
    %swap3A_65 = tpu.vector_load %arg8[%swap3A_64] {strides = array<i32>} : memref<128xi32, #tpu.memory_space<vmem>>, vector<16xi32>,
    tpu.vector_store %arg8[%swap3A_64], %add3A_63 {strides = array<i32>} : memref<128xi32, #tpu.memory_space<vmem>>, vector<16xi32>,
    %add3A_66 = arith.constant 640 : i32
    %add3A_67 = arith.addi %add3A_33, %add3A_66 : i32
    %add3A_68 = vector.broadcast %add3A_67 : i32 to vector<16xi32>
    %add3A_69 = arith.addi %add3A_68, %mul3A_36 : vector<16xi32>
    %swap3A_70 = arith.constant 80 : index
    %swap3A_71 = tpu.vector_load %arg8[%swap3A_70] {strides = array<i32>} : memref<128xi32, #tpu.memory_space<vmem>>, vector<16xi32>,
    tpu.vector_store %arg8[%swap3A_70], %add3A_69 {strides = array<i32>} : memref<128xi32, #tpu.memory_space<vmem>>, vector<16xi32>,
    %add3A_72 = arith.constant 768 : i32
    %add3A_73 = arith.addi %add3A_33, %add3A_72 : i32
    %add3A_74 = vector.broadcast %add3A_73 : i32 to vector<16xi32>
    %add3A_75 = arith.addi %add3A_74, %mul3A_36 : vector<16xi32>
    %swap3A_76 = arith.constant 96 : index
    %swap3A_77 = tpu.vector_load %arg8[%swap3A_76] {strides = array<i32>} : memref<128xi32, #tpu.memory_space<vmem>>, vector<16xi32>,
    tpu.vector_store %arg8[%swap3A_76], %add3A_75 {strides = array<i32>} : memref<128xi32, #tpu.memory_space<vmem>>, vector<16xi32>,
    %add3A_78 = arith.constant 896 : i32
    %add3A_79 = arith.addi %add3A_33, %add3A_78 : i32
    %add3A_80 = vector.broadcast %add3A_79 : i32 to vector<16xi32>
    %add3A_81 = arith.addi %add3A_80, %mul3A_36 : vector<16xi32>
    %swap3A_82 = arith.constant 112 : index
    %swap3A_83 = tpu.vector_load %arg8[%swap3A_82] {strides = array<i32>} : memref<128xi32, #tpu.memory_space<vmem>>, vector<16xi32>,
    tpu.vector_store %arg8[%swap3A_82], %add3A_81 {strides = array<i32>} : memref<128xi32, #tpu.memory_space<vmem>>, vector<16xi32>,
    %dma_start3A = arith.constant 0 : i32
    %dma_start3A_84 = arith.constant 0 : i32
    %dma_start3A_85 = tpu.memref_slice %arg3[%dma_start3A, %dma_start3A_84] : memref<4096x128xf32, #tpu.memory_space<hbm>> -> memref<4096x128xf32, #tpu.memory_space<hbm>>
    tpu.enqueue_indirect_dma source(%dma_start3A_85 : memref<4096x128xf32, #tpu.memory_space<hbm>>) target(%arg6 : memref<128x128xf32, #tpu.memory_space<vmem>>) offsets(%arg8 : memref<128xi32, #tpu.memory_space<vmem>>) semaphore(%arg9 : memref<!tpu.dma_semaphore, #tpu.memory_space<semaphore_mem>>)
    %dma_start3A_86 = arith.constant 1024 : i32
    %dma_start3A_87 = tpu.memref_slice %arg5[%dma_start3A_86] : memref<33792xf32, #tpu.memory_space<vmem>> -> memref<32768xf32, #tpu.memory_space<vmem>>
    %dma_start3A_88 = arith.constant 0 : i32
    %dma_start3A_89 = tpu.memref_slice %arg2[%add3A, %dma_start3A_88] : memref<32x32768xf32, #tpu.memory_space<hbm>> -> memref<1x32768xf32, #tpu.memory_space<hbm>>
    %dma_start3A_90 = tpu.memref_squeeze %dma_start3A_89 : memref<1x32768xf32, #tpu.memory_space<hbm>> -> memref<32768xf32, #tpu.memory_space<hbm>>
    %dma_start3A_91 = arith.constant 1024 : i32
    %dma_start3A_92 = tpu.memref_slice %arg5[%dma_start3A_91] : memref<33792xf32, #tpu.memory_space<vmem>> -> memref<32768xf32, #tpu.memory_space<vmem>>
    %dma_start3A_93 = arith.constant 0 : i32
    %dma_start3A_94 = tpu.memref_slice %arg2[%add3A, %dma_start3A_93] : memref<32x32768xf32, #tpu.memory_space<hbm>> -> memref<1x32768xf32, #tpu.memory_space<hbm>>
    %dma_start3A_95 = tpu.memref_squeeze %dma_start3A_94 : memref<1x32768xf32, #tpu.memory_space<hbm>> -> memref<32768xf32, #tpu.memory_space<hbm>>
    tpu.enqueue_dma source(%dma_start3A_95 : memref<32768xf32, #tpu.memory_space<hbm>>) target(%dma_start3A_92 : memref<32768xf32, #tpu.memory_space<vmem>>) target_semaphore(%arg10 : memref<!tpu.dma_semaphore, #tpu.memory_space<semaphore_mem>>)
    %broadcast_in_dim3A = arith.constant 0.000000e+00 : f32
    %broadcast_in_dim3A_96 = vector.broadcast %broadcast_in_dim3A : f32 to vector<16xf32>
    %swap3A_97 = arith.constant 0 : index
    %swap3A_98 = tpu.vector_load %arg5[%swap3A_97] {strides = array<i32>} : memref<33792xf32, #tpu.memory_space<vmem>>, vector<16xf32>,
    tpu.vector_store %arg5[%swap3A_97], %broadcast_in_dim3A_96 {strides = array<i32>} : memref<33792xf32, #tpu.memory_space<vmem>>, vector<16xf32>,
    %swap3A_99 = arith.constant 16 : index
    %swap3A_100 = tpu.vector_load %arg5[%swap3A_99] {strides = array<i32>} : memref<33792xf32, #tpu.memory_space<vmem>>, vector<16xf32>,
    tpu.vector_store %arg5[%swap3A_99], %broadcast_in_dim3A_96 {strides = array<i32>} : memref<33792xf32, #tpu.memory_space<vmem>>, vector<16xf32>,
    %swap3A_101 = arith.constant 32 : index
    %swap3A_102 = tpu.vector_load %arg5[%swap3A_101] {strides = array<i32>} : memref<33792xf32, #tpu.memory_space<vmem>>, vector<16xf32>,
    tpu.vector_store %arg5[%swap3A_101], %broadcast_in_dim3A_96 {strides = array<i32>} : memref<33792xf32, #tpu.memory_space<vmem>>, vector<16xf32>,
    %swap3A_103 = arith.constant 48 : index
    %swap3A_104 = tpu.vector_load %arg5[%swap3A_103] {strides = array<i32>} : memref<33792xf32, #tpu.memory_space<vmem>>, vector<16xf32>,
    tpu.vector_store %arg5[%swap3A_103], %broadcast_in_dim3A_96 {strides = array<i32>} : memref<33792xf32, #tpu.memory_space<vmem>>, vector<16xf32>,
    %swap3A_105 = arith.constant 64 : index
    %swap3A_106 = tpu.vector_load %arg5[%swap3A_105] {strides = array<i32>} : memref<33792xf32, #tpu.memory_space<vmem>>, vector<16xf32>,
    tpu.vector_store %arg5[%swap3A_105], %broadcast_in_dim3A_96 {strides = array<i32>} : memref<33792xf32, #tpu.memory_space<vmem>>, vector<16xf32>,
    %swap3A_107 = arith.constant 80 : index
    %swap3A_108 = tpu.vector_load %arg5[%swap3A_107] {strides = array<i32>} : memref<33792xf32, #tpu.memory_space<vmem>>, vector<16xf32>,
    tpu.vector_store %arg5[%swap3A_107], %broadcast_in_dim3A_96 {strides = array<i32>} : memref<33792xf32, #tpu.memory_space<vmem>>, vector<16xf32>,
    %swap3A_109 = arith.constant 96 : index
    %swap3A_110 = tpu.vector_load %arg5[%swap3A_109] {strides = array<i32>} : memref<33792xf32, #tpu.memory_space<vmem>>, vector<16xf32>,
    tpu.vector_store %arg5[%swap3A_109], %broadcast_in_dim3A_96 {strides = array<i32>} : memref<33792xf32, #tpu.memory_space<vmem>>, vector<16xf32>,
    %swap3A_111 = arith.constant 112 : index
    %swap3A_112 = tpu.vector_load %arg5[%swap3A_111] {strides = array<i32>} : memref<33792xf32, #tpu.memory_space<vmem>>, vector<16xf32>,
    tpu.vector_store %arg5[%swap3A_111], %broadcast_in_dim3A_96 {strides = array<i32>} : memref<33792xf32, #tpu.memory_space<vmem>>, vector<16xf32>,
    %swap3A_113 = arith.constant 128 : index
    %swap3A_114 = tpu.vector_load %arg5[%swap3A_113] {strides = array<i32>} : memref<33792xf32, #tpu.memory_space<vmem>>, vector<16xf32>,
    tpu.vector_store %arg5[%swap3A_113], %broadcast_in_dim3A_96 {strides = array<i32>} : memref<33792xf32, #tpu.memory_space<vmem>>, vector<16xf32>,
    %swap3A_115 = arith.constant 144 : index
    %swap3A_116 = tpu.vector_load %arg5[%swap3A_115] {strides = array<i32>} : memref<33792xf32, #tpu.memory_space<vmem>>, vector<16xf32>,
    tpu.vector_store %arg5[%swap3A_115], %broadcast_in_dim3A_96 {strides = array<i32>} : memref<33792xf32, #tpu.memory_space<vmem>>, vector<16xf32>,
    %swap3A_117 = arith.constant 160 : index
    %swap3A_118 = tpu.vector_load %arg5[%swap3A_117] {strides = array<i32>} : memref<33792xf32, #tpu.memory_space<vmem>>, vector<16xf32>,
    tpu.vector_store %arg5[%swap3A_117], %broadcast_in_dim3A_96 {strides = array<i32>} : memref<33792xf32, #tpu.memory_space<vmem>>, vector<16xf32>,
    %swap3A_119 = arith.constant 176 : index
    %swap3A_120 = tpu.vector_load %arg5[%swap3A_119] {strides = array<i32>} : memref<33792xf32, #tpu.memory_space<vmem>>, vector<16xf32>,
    tpu.vector_store %arg5[%swap3A_119], %broadcast_in_dim3A_96 {strides = array<i32>} : memref<33792xf32, #tpu.memory_space<vmem>>, vector<16xf32>,
    %swap3A_121 = arith.constant 192 : index
    %swap3A_122 = tpu.vector_load %arg5[%swap3A_121] {strides = array<i32>} : memref<33792xf32, #tpu.memory_space<vmem>>, vector<16xf32>,
    tpu.vector_store %arg5[%swap3A_121], %broadcast_in_dim3A_96 {strides = array<i32>} : memref<33792xf32, #tpu.memory_space<vmem>>, vector<16xf32>,
    %swap3A_123 = arith.constant 208 : index
    %swap3A_124 = tpu.vector_load %arg5[%swap3A_123] {strides = array<i32>} : memref<33792xf32, #tpu.memory_space<vmem>>, vector<16xf32>,
    tpu.vector_store %arg5[%swap3A_123], %broadcast_in_dim3A_96 {strides = array<i32>} : memref<33792xf32, #tpu.memory_space<vmem>>, vector<16xf32>,
    %swap3A_125 = arith.constant 224 : index
    %swap3A_126 = tpu.vector_load %arg5[%swap3A_125] {strides = array<i32>} : memref<33792xf32, #tpu.memory_space<vmem>>, vector<16xf32>,
    tpu.vector_store %arg5[%swap3A_125], %broadcast_in_dim3A_96 {strides = array<i32>} : memref<33792xf32, #tpu.memory_space<vmem>>, vector<16xf32>,
    %swap3A_127 = arith.constant 240 : index
    %swap3A_128 = tpu.vector_load %arg5[%swap3A_127] {strides = array<i32>} : memref<33792xf32, #tpu.memory_space<vmem>>, vector<16xf32>,
    tpu.vector_store %arg5[%swap3A_127], %broadcast_in_dim3A_96 {strides = array<i32>} : memref<33792xf32, #tpu.memory_space<vmem>>, vector<16xf32>,
    %swap3A_129 = arith.constant 256 : index
    %swap3A_130 = tpu.vector_load %arg5[%swap3A_129] {strides = array<i32>} : memref<33792xf32, #tpu.memory_space<vmem>>, vector<16xf32>,
    tpu.vector_store %arg5[%swap3A_129], %broadcast_in_dim3A_96 {strides = array<i32>} : memref<33792xf32, #tpu.memory_space<vmem>>, vector<16xf32>,
    %swap3A_131 = arith.constant 272 : index
    %swap3A_132 = tpu.vector_load %arg5[%swap3A_131] {strides = array<i32>} : memref<33792xf32, #tpu.memory_space<vmem>>, vector<16xf32>,
    tpu.vector_store %arg5[%swap3A_131], %broadcast_in_dim3A_96 {strides = array<i32>} : memref<33792xf32, #tpu.memory_space<vmem>>, vector<16xf32>,
    %swap3A_133 = arith.constant 288 : index
    %swap3A_134 = tpu.vector_load %arg5[%swap3A_133] {strides = array<i32>} : memref<33792xf32, #tpu.memory_space<vmem>>, vector<16xf32>,
    tpu.vector_store %arg5[%swap3A_133], %broadcast_in_dim3A_96 {strides = array<i32>} : memref<33792xf32, #tpu.memory_space<vmem>>, vector<16xf32>,
    %swap3A_135 = arith.constant 304 : index
    %swap3A_136 = tpu.vector_load %arg5[%swap3A_135] {strides = array<i32>} : memref<33792xf32, #tpu.memory_space<vmem>>, vector<16xf32>,
    tpu.vector_store %arg5[%swap3A_135], %broadcast_in_dim3A_96 {strides = array<i32>} : memref<33792xf32, #tpu.memory_space<vmem>>, vector<16xf32>,
    %swap3A_137 = arith.constant 320 : index
    %swap3A_138 = tpu.vector_load %arg5[%swap3A_137] {strides = array<i32>} : memref<33792xf32, #tpu.memory_space<vmem>>, vector<16xf32>,
    tpu.vector_store %arg5[%swap3A_137], %broadcast_in_dim3A_96 {strides = array<i32>} : memref<33792xf32, #tpu.memory_space<vmem>>, vector<16xf32>,
    %swap3A_139 = arith.constant 336 : index
    %swap3A_140 = tpu.vector_load %arg5[%swap3A_139] {strides = array<i32>} : memref<33792xf32, #tpu.memory_space<vmem>>, vector<16xf32>,
    tpu.vector_store %arg5[%swap3A_139], %broadcast_in_dim3A_96 {strides = array<i32>} : memref<33792xf32, #tpu.memory_space<vmem>>, vector<16xf32>,
    %swap3A_141 = arith.constant 352 : index
    %swap3A_142 = tpu.vector_load %arg5[%swap3A_141] {strides = array<i32>} : memref<33792xf32, #tpu.memory_space<vmem>>, vector<16xf32>,
    tpu.vector_store %arg5[%swap3A_141], %broadcast_in_dim3A_96 {strides = array<i32>} : memref<33792xf32, #tpu.memory_space<vmem>>, vector<16xf32>,
    %swap3A_143 = arith.constant 368 : index
    %swap3A_144 = tpu.vector_load %arg5[%swap3A_143] {strides = array<i32>} : memref<33792xf32, #tpu.memory_space<vmem>>, vector<16xf32>,
    tpu.vector_store %arg5[%swap3A_143], %broadcast_in_dim3A_96 {strides = array<i32>} : memref<33792xf32, #tpu.memory_space<vmem>>, vector<16xf32>,
    %swap3A_145 = arith.constant 384 : index
    %swap3A_146 = tpu.vector_load %arg5[%swap3A_145] {strides = array<i32>} : memref<33792xf32, #tpu.memory_space<vmem>>, vector<16xf32>,
    tpu.vector_store %arg5[%swap3A_145], %broadcast_in_dim3A_96 {strides = array<i32>} : memref<33792xf32, #tpu.memory_space<vmem>>, vector<16xf32>,
    %swap3A_147 = arith.constant 400 : index
    %swap3A_148 = tpu.vector_load %arg5[%swap3A_147] {strides = array<i32>} : memref<33792xf32, #tpu.memory_space<vmem>>, vector<16xf32>,
    tpu.vector_store %arg5[%swap3A_147], %broadcast_in_dim3A_96 {strides = array<i32>} : memref<33792xf32, #tpu.memory_space<vmem>>, vector<16xf32>,
    %swap3A_149 = arith.constant 416 : index
    %swap3A_150 = tpu.vector_load %arg5[%swap3A_149] {strides = array<i32>} : memref<33792xf32, #tpu.memory_space<vmem>>, vector<16xf32>,
    tpu.vector_store %arg5[%swap3A_149], %broadcast_in_dim3A_96 {strides = array<i32>} : memref<33792xf32, #tpu.memory_space<vmem>>, vector<16xf32>,
    %swap3A_151 = arith.constant 432 : index
    %swap3A_152 = tpu.vector_load %arg5[%swap3A_151] {strides = array<i32>} : memref<33792xf32, #tpu.memory_space<vmem>>, vector<16xf32>,
    tpu.vector_store %arg5[%swap3A_151], %broadcast_in_dim3A_96 {strides = array<i32>} : memref<33792xf32, #tpu.memory_space<vmem>>, vector<16xf32>,
    %swap3A_153 = arith.constant 448 : index
    %swap3A_154 = tpu.vector_load %arg5[%swap3A_153] {strides = array<i32>} : memref<33792xf32, #tpu.memory_space<vmem>>, vector<16xf32>,
    tpu.vector_store %arg5[%swap3A_153], %broadcast_in_dim3A_96 {strides = array<i32>} : memref<33792xf32, #tpu.memory_space<vmem>>, vector<16xf32>,
    %swap3A_155 = arith.constant 464 : index
    %swap3A_156 = tpu.vector_load %arg5[%swap3A_155] {strides = array<i32>} : memref<33792xf32, #tpu.memory_space<vmem>>, vector<16xf32>,
    tpu.vector_store %arg5[%swap3A_155], %broadcast_in_dim3A_96 {strides = array<i32>} : memref<33792xf32, #tpu.memory_space<vmem>>, vector<16xf32>,
    %swap3A_157 = arith.constant 480 : index
    %swap3A_158 = tpu.vector_load %arg5[%swap3A_157] {strides = array<i32>} : memref<33792xf32, #tpu.memory_space<vmem>>, vector<16xf32>,
    tpu.vector_store %arg5[%swap3A_157], %broadcast_in_dim3A_96 {strides = array<i32>} : memref<33792xf32, #tpu.memory_space<vmem>>, vector<16xf32>,
    %swap3A_159 = arith.constant 496 : index
    %swap3A_160 = tpu.vector_load %arg5[%swap3A_159] {strides = array<i32>} : memref<33792xf32, #tpu.memory_space<vmem>>, vector<16xf32>,
    tpu.vector_store %arg5[%swap3A_159], %broadcast_in_dim3A_96 {strides = array<i32>} : memref<33792xf32, #tpu.memory_space<vmem>>, vector<16xf32>,
    %swap3A_161 = arith.constant 512 : index
    %swap3A_162 = tpu.vector_load %arg5[%swap3A_161] {strides = array<i32>} : memref<33792xf32, #tpu.memory_space<vmem>>, vector<16xf32>,
    tpu.vector_store %arg5[%swap3A_161], %broadcast_in_dim3A_96 {strides = array<i32>} : memref<33792xf32, #tpu.memory_space<vmem>>, vector<16xf32>,
    %swap3A_163 = arith.constant 528 : index
    %swap3A_164 = tpu.vector_load %arg5[%swap3A_163] {strides = array<i32>} : memref<33792xf32, #tpu.memory_space<vmem>>, vector<16xf32>,
    tpu.vector_store %arg5[%swap3A_163], %broadcast_in_dim3A_96 {strides = array<i32>} : memref<33792xf32, #tpu.memory_space<vmem>>, vector<16xf32>,
    %swap3A_165 = arith.constant 544 : index
    %swap3A_166 = tpu.vector_load %arg5[%swap3A_165] {strides = array<i32>} : memref<33792xf32, #tpu.memory_space<vmem>>, vector<16xf32>,
    tpu.vector_store %arg5[%swap3A_165], %broadcast_in_dim3A_96 {strides = array<i32>} : memref<33792xf32, #tpu.memory_space<vmem>>, vector<16xf32>,
    %swap3A_167 = arith.constant 560 : index
    %swap3A_168 = tpu.vector_load %arg5[%swap3A_167] {strides = array<i32>} : memref<33792xf32, #tpu.memory_space<vmem>>, vector<16xf32>,
    tpu.vector_store %arg5[%swap3A_167], %broadcast_in_dim3A_96 {strides = array<i32>} : memref<33792xf32, #tpu.memory_space<vmem>>, vector<16xf32>,
    %swap3A_169 = arith.constant 576 : index
    %swap3A_170 = tpu.vector_load %arg5[%swap3A_169] {strides = array<i32>} : memref<33792xf32, #tpu.memory_space<vmem>>, vector<16xf32>,
    tpu.vector_store %arg5[%swap3A_169], %broadcast_in_dim3A_96 {strides = array<i32>} : memref<33792xf32, #tpu.memory_space<vmem>>, vector<16xf32>,
    %swap3A_171 = arith.constant 592 : index
    %swap3A_172 = tpu.vector_load %arg5[%swap3A_171] {strides = array<i32>} : memref<33792xf32, #tpu.memory_space<vmem>>, vector<16xf32>,
    tpu.vector_store %arg5[%swap3A_171], %broadcast_in_dim3A_96 {strides = array<i32>} : memref<33792xf32, #tpu.memory_space<vmem>>, vector<16xf32>,
    %swap3A_173 = arith.constant 608 : index
    %swap3A_174 = tpu.vector_load %arg5[%swap3A_173] {strides = array<i32>} : memref<33792xf32, #tpu.memory_space<vmem>>, vector<16xf32>,
    tpu.vector_store %arg5[%swap3A_173], %broadcast_in_dim3A_96 {strides = array<i32>} : memref<33792xf32, #tpu.memory_space<vmem>>, vector<16xf32>,
    %swap3A_175 = arith.constant 624 : index
    %swap3A_176 = tpu.vector_load %arg5[%swap3A_175] {strides = array<i32>} : memref<33792xf32, #tpu.memory_space<vmem>>, vector<16xf32>,
    tpu.vector_store %arg5[%swap3A_175], %broadcast_in_dim3A_96 {strides = array<i32>} : memref<33792xf32, #tpu.memory_space<vmem>>, vector<16xf32>,
    %swap3A_177 = arith.constant 640 : index
    %swap3A_178 = tpu.vector_load %arg5[%swap3A_177] {strides = array<i32>} : memref<33792xf32, #tpu.memory_space<vmem>>, vector<16xf32>,
    tpu.vector_store %arg5[%swap3A_177], %broadcast_in_dim3A_96 {strides = array<i32>} : memref<33792xf32, #tpu.memory_space<vmem>>, vector<16xf32>,
    %swap3A_179 = arith.constant 656 : index
    %swap3A_180 = tpu.vector_load %arg5[%swap3A_179] {strides = array<i32>} : memref<33792xf32, #tpu.memory_space<vmem>>, vector<16xf32>,
    tpu.vector_store %arg5[%swap3A_179], %broadcast_in_dim3A_96 {strides = array<i32>} : memref<33792xf32, #tpu.memory_space<vmem>>, vector<16xf32>,
    %swap3A_181 = arith.constant 672 : index
    %swap3A_182 = tpu.vector_load %arg5[%swap3A_181] {strides = array<i32>} : memref<33792xf32, #tpu.memory_space<vmem>>, vector<16xf32>,
    tpu.vector_store %arg5[%swap3A_181], %broadcast_in_dim3A_96 {strides = array<i32>} : memref<33792xf32, #tpu.memory_space<vmem>>, vector<16xf32>,
    %swap3A_183 = arith.constant 688 : index
    %swap3A_184 = tpu.vector_load %arg5[%swap3A_183] {strides = array<i32>} : memref<33792xf32, #tpu.memory_space<vmem>>, vector<16xf32>,
    tpu.vector_store %arg5[%swap3A_183], %broadcast_in_dim3A_96 {strides = array<i32>} : memref<33792xf32, #tpu.memory_space<vmem>>, vector<16xf32>,
    %swap3A_185 = arith.constant 704 : index
    %swap3A_186 = tpu.vector_load %arg5[%swap3A_185] {strides = array<i32>} : memref<33792xf32, #tpu.memory_space<vmem>>, vector<16xf32>,
    tpu.vector_store %arg5[%swap3A_185], %broadcast_in_dim3A_96 {strides = array<i32>} : memref<33792xf32, #tpu.memory_space<vmem>>, vector<16xf32>,
    %swap3A_187 = arith.constant 720 : index
    %swap3A_188 = tpu.vector_load %arg5[%swap3A_187] {strides = array<i32>} : memref<33792xf32, #tpu.memory_space<vmem>>, vector<16xf32>,
    tpu.vector_store %arg5[%swap3A_187], %broadcast_in_dim3A_96 {strides = array<i32>} : memref<33792xf32, #tpu.memory_space<vmem>>, vector<16xf32>,
    %swap3A_189 = arith.constant 736 : index
    %swap3A_190 = tpu.vector_load %arg5[%swap3A_189] {strides = array<i32>} : memref<33792xf32, #tpu.memory_space<vmem>>, vector<16xf32>,
    tpu.vector_store %arg5[%swap3A_189], %broadcast_in_dim3A_96 {strides = array<i32>} : memref<33792xf32, #tpu.memory_space<vmem>>, vector<16xf32>,
    %swap3A_191 = arith.constant 752 : index
    %swap3A_192 = tpu.vector_load %arg5[%swap3A_191] {strides = array<i32>} : memref<33792xf32, #tpu.memory_space<vmem>>, vector<16xf32>,
    tpu.vector_store %arg5[%swap3A_191], %broadcast_in_dim3A_96 {strides = array<i32>} : memref<33792xf32, #tpu.memory_space<vmem>>, vector<16xf32>,
    %swap3A_193 = arith.constant 768 : index
    %swap3A_194 = tpu.vector_load %arg5[%swap3A_193] {strides = array<i32>} : memref<33792xf32, #tpu.memory_space<vmem>>, vector<16xf32>,
    tpu.vector_store %arg5[%swap3A_193], %broadcast_in_dim3A_96 {strides = array<i32>} : memref<33792xf32, #tpu.memory_space<vmem>>, vector<16xf32>,
    %swap3A_195 = arith.constant 784 : index
    %swap3A_196 = tpu.vector_load %arg5[%swap3A_195] {strides = array<i32>} : memref<33792xf32, #tpu.memory_space<vmem>>, vector<16xf32>,
    tpu.vector_store %arg5[%swap3A_195], %broadcast_in_dim3A_96 {strides = array<i32>} : memref<33792xf32, #tpu.memory_space<vmem>>, vector<16xf32>,
    %swap3A_197 = arith.constant 800 : index
    %swap3A_198 = tpu.vector_load %arg5[%swap3A_197] {strides = array<i32>} : memref<33792xf32, #tpu.memory_space<vmem>>, vector<16xf32>,
    tpu.vector_store %arg5[%swap3A_197], %broadcast_in_dim3A_96 {strides = array<i32>} : memref<33792xf32, #tpu.memory_space<vmem>>, vector<16xf32>,
    %swap3A_199 = arith.constant 816 : index
    %swap3A_200 = tpu.vector_load %arg5[%swap3A_199] {strides = array<i32>} : memref<33792xf32, #tpu.memory_space<vmem>>, vector<16xf32>,
    tpu.vector_store %arg5[%swap3A_199], %broadcast_in_dim3A_96 {strides = array<i32>} : memref<33792xf32, #tpu.memory_space<vmem>>, vector<16xf32>,
    %swap3A_201 = arith.constant 832 : index
    %swap3A_202 = tpu.vector_load %arg5[%swap3A_201] {strides = array<i32>} : memref<33792xf32, #tpu.memory_space<vmem>>, vector<16xf32>,
    tpu.vector_store %arg5[%swap3A_201], %broadcast_in_dim3A_96 {strides = array<i32>} : memref<33792xf32, #tpu.memory_space<vmem>>, vector<16xf32>,
    %swap3A_203 = arith.constant 848 : index
    %swap3A_204 = tpu.vector_load %arg5[%swap3A_203] {strides = array<i32>} : memref<33792xf32, #tpu.memory_space<vmem>>, vector<16xf32>,
    tpu.vector_store %arg5[%swap3A_203], %broadcast_in_dim3A_96 {strides = array<i32>} : memref<33792xf32, #tpu.memory_space<vmem>>, vector<16xf32>,
    %swap3A_205 = arith.constant 864 : index
    %swap3A_206 = tpu.vector_load %arg5[%swap3A_205] {strides = array<i32>} : memref<33792xf32, #tpu.memory_space<vmem>>, vector<16xf32>,
    tpu.vector_store %arg5[%swap3A_205], %broadcast_in_dim3A_96 {strides = array<i32>} : memref<33792xf32, #tpu.memory_space<vmem>>, vector<16xf32>,
    %swap3A_207 = arith.constant 880 : index
    %swap3A_208 = tpu.vector_load %arg5[%swap3A_207] {strides = array<i32>} : memref<33792xf32, #tpu.memory_space<vmem>>, vector<16xf32>,
    tpu.vector_store %arg5[%swap3A_207], %broadcast_in_dim3A_96 {strides = array<i32>} : memref<33792xf32, #tpu.memory_space<vmem>>, vector<16xf32>,
    %swap3A_209 = arith.constant 896 : index
    %swap3A_210 = tpu.vector_load %arg5[%swap3A_209] {strides = array<i32>} : memref<33792xf32, #tpu.memory_space<vmem>>, vector<16xf32>,
    tpu.vector_store %arg5[%swap3A_209], %broadcast_in_dim3A_96 {strides = array<i32>} : memref<33792xf32, #tpu.memory_space<vmem>>, vector<16xf32>,
    %swap3A_211 = arith.constant 912 : index
    %swap3A_212 = tpu.vector_load %arg5[%swap3A_211] {strides = array<i32>} : memref<33792xf32, #tpu.memory_space<vmem>>, vector<16xf32>,
    tpu.vector_store %arg5[%swap3A_211], %broadcast_in_dim3A_96 {strides = array<i32>} : memref<33792xf32, #tpu.memory_space<vmem>>, vector<16xf32>,
    %swap3A_213 = arith.constant 928 : index
    %swap3A_214 = tpu.vector_load %arg5[%swap3A_213] {strides = array<i32>} : memref<33792xf32, #tpu.memory_space<vmem>>, vector<16xf32>,
    tpu.vector_store %arg5[%swap3A_213], %broadcast_in_dim3A_96 {strides = array<i32>} : memref<33792xf32, #tpu.memory_space<vmem>>, vector<16xf32>,
    %swap3A_215 = arith.constant 944 : index
    %swap3A_216 = tpu.vector_load %arg5[%swap3A_215] {strides = array<i32>} : memref<33792xf32, #tpu.memory_space<vmem>>, vector<16xf32>,
    tpu.vector_store %arg5[%swap3A_215], %broadcast_in_dim3A_96 {strides = array<i32>} : memref<33792xf32, #tpu.memory_space<vmem>>, vector<16xf32>,
    %swap3A_217 = arith.constant 960 : index
    %swap3A_218 = tpu.vector_load %arg5[%swap3A_217] {strides = array<i32>} : memref<33792xf32, #tpu.memory_space<vmem>>, vector<16xf32>,
    tpu.vector_store %arg5[%swap3A_217], %broadcast_in_dim3A_96 {strides = array<i32>} : memref<33792xf32, #tpu.memory_space<vmem>>, vector<16xf32>,
    %swap3A_219 = arith.constant 976 : index
    %swap3A_220 = tpu.vector_load %arg5[%swap3A_219] {strides = array<i32>} : memref<33792xf32, #tpu.memory_space<vmem>>, vector<16xf32>,
    tpu.vector_store %arg5[%swap3A_219], %broadcast_in_dim3A_96 {strides = array<i32>} : memref<33792xf32, #tpu.memory_space<vmem>>, vector<16xf32>,
    %swap3A_221 = arith.constant 992 : index
    %swap3A_222 = tpu.vector_load %arg5[%swap3A_221] {strides = array<i32>} : memref<33792xf32, #tpu.memory_space<vmem>>, vector<16xf32>,
    tpu.vector_store %arg5[%swap3A_221], %broadcast_in_dim3A_96 {strides = array<i32>} : memref<33792xf32, #tpu.memory_space<vmem>>, vector<16xf32>,
    %swap3A_223 = arith.constant 1008 : index
    %swap3A_224 = tpu.vector_load %arg5[%swap3A_223] {strides = array<i32>} : memref<33792xf32, #tpu.memory_space<vmem>>, vector<16xf32>,
    tpu.vector_store %arg5[%swap3A_223], %broadcast_in_dim3A_96 {strides = array<i32>} : memref<33792xf32, #tpu.memory_space<vmem>>, vector<16xf32>,
    %dma_wait3A = arith.constant 0 : i32
    %dma_wait3A_225 = arith.constant 0 : i32
    %dma_wait3A_226 = tpu.memref_slice %arg3[%dma_wait3A, %dma_wait3A_225] : memref<4096x128xf32, #tpu.memory_space<hbm>> -> memref<4096x128xf32, #tpu.memory_space<hbm>>
    tpu.wait_indirect_dma semaphore(%arg9 : memref<!tpu.dma_semaphore, #tpu.memory_space<semaphore_mem>>) src(%dma_wait3A_226 : memref<4096x128xf32, #tpu.memory_space<hbm>>) dst(%arg6 : memref<128x128xf32, #tpu.memory_space<vmem>>)
    %dma_wait3A_227 = arith.constant 1024 : i32
    %dma_wait3A_228 = tpu.memref_slice %arg5[%dma_wait3A_227] : memref<33792xf32, #tpu.memory_space<vmem>> -> memref<32768xf32, #tpu.memory_space<vmem>>
    %dma_wait3A_229 = arith.constant 0 : i32
    %dma_wait3A_230 = tpu.memref_slice %arg2[%add3A, %dma_wait3A_229] : memref<32x32768xf32, #tpu.memory_space<hbm>> -> memref<1x32768xf32, #tpu.memory_space<hbm>>
    %dma_wait3A_231 = tpu.memref_squeeze %dma_wait3A_230 : memref<1x32768xf32, #tpu.memory_space<hbm>> -> memref<32768xf32, #tpu.memory_space<hbm>>
    %dma_wait3A_232 = arith.constant 1024 : i32
    %dma_wait3A_233 = tpu.memref_slice %arg5[%dma_wait3A_232] : memref<33792xf32, #tpu.memory_space<vmem>> -> memref<32768xf32, #tpu.memory_space<vmem>>
    %dma_wait3A_234 = arith.constant 0 : i32
    %dma_wait3A_235 = tpu.memref_slice %arg2[%add3A, %dma_wait3A_234] : memref<32x32768xf32, #tpu.memory_space<hbm>> -> memref<1x32768xf32, #tpu.memory_space<hbm>>
    %dma_wait3A_236 = tpu.memref_squeeze %dma_wait3A_235 : memref<1x32768xf32, #tpu.memory_space<hbm>> -> memref<32768xf32, #tpu.memory_space<hbm>>
    tpu.wait_dma2 semaphore(%arg10 : memref<!tpu.dma_semaphore, #tpu.memory_space<semaphore_mem>>) src(%dma_wait3A_236 : memref<32768xf32, #tpu.memory_space<hbm>>) dst(%dma_wait3A_233 : memref<32768xf32, #tpu.memory_space<vmem>>)
    %parallel_loop3A = arith.constant 0 : i32
    %parallel_loop3A_237 = arith.constant 1024 : i32
    %parallel_loop3A_238 = arith.constant 1 : i32
    scf.for %parallel_loop3A_259 = %parallel_loop3A to %parallel_loop3A_237 step %parallel_loop3A_238  : i32 {
      %parallel_loop3A_260 = arith.constant 16 : i32
      %parallel_loop3A_261 = arith.muli %parallel_loop3A_259, %parallel_loop3A_260 : i32
      %parallel_loop3A_262 = arith.constant 8 : i32
      %parallel_loop3A_263 = arith.divsi %parallel_loop3A_259, %parallel_loop3A_262 : i32
      %parallel_loop3A_264 = arith.constant 0 : i32
      %parallel_loop3A_265 = arith.cmpi sgt, %parallel_loop3A_259, %parallel_loop3A_264 : i32
      %parallel_loop3A_266 = arith.extui %parallel_loop3A_265 : i1 to i32
      %parallel_loop3A_267 = arith.constant 0 : i32
      %parallel_loop3A_268 = arith.cmpi slt, %parallel_loop3A_259, %parallel_loop3A_267 : i32
      %parallel_loop3A_269 = arith.extui %parallel_loop3A_268 : i1 to i32
      %parallel_loop3A_270 = arith.subi %parallel_loop3A_266, %parallel_loop3A_269 : i32
      %parallel_loop3A_271 = arith.constant 0 : i32
      %parallel_loop3A_272 = arith.cmpi sgt, %parallel_loop3A_262, %parallel_loop3A_271 : i32
      %parallel_loop3A_273 = arith.extui %parallel_loop3A_272 : i1 to i32
      %parallel_loop3A_274 = arith.constant 0 : i32
      %parallel_loop3A_275 = arith.cmpi slt, %parallel_loop3A_262, %parallel_loop3A_274 : i32
      %parallel_loop3A_276 = arith.extui %parallel_loop3A_275 : i1 to i32
      %parallel_loop3A_277 = arith.subi %parallel_loop3A_273, %parallel_loop3A_276 : i32
      %parallel_loop3A_278 = arith.cmpi ne, %parallel_loop3A_270, %parallel_loop3A_277 : i32
      %parallel_loop3A_279 = arith.remsi %parallel_loop3A_259, %parallel_loop3A_262 : i32
      %parallel_loop3A_280 = arith.constant 0 : i32
      %parallel_loop3A_281 = arith.cmpi ne, %parallel_loop3A_279, %parallel_loop3A_280 : i32
      %parallel_loop3A_282 = arith.andi %parallel_loop3A_278, %parallel_loop3A_281 : i1
      %parallel_loop3A_283 = arith.constant 1 : i32
      %parallel_loop3A_284 = arith.subi %parallel_loop3A_263, %parallel_loop3A_283 : i32
      %parallel_loop3A_285 = arith.select %parallel_loop3A_282, %parallel_loop3A_284, %parallel_loop3A_263 : i32
      %parallel_loop3A_286 = arith.constant 8 : i32
      %parallel_loop3A_287 = arith.constant 0 : i32
      %parallel_loop3A_288 = arith.cmpi eq, %parallel_loop3A_286, %parallel_loop3A_287 : i32
      %parallel_loop3A_289 = arith.constant 1 : i32
      %parallel_loop3A_290 = arith.select %parallel_loop3A_288, %parallel_loop3A_289, %parallel_loop3A_286 : i32
      %parallel_loop3A_291 = arith.remsi %parallel_loop3A_259, %parallel_loop3A_290 : i32
      %parallel_loop3A_292 = arith.constant 0 : i32
      %parallel_loop3A_293 = arith.cmpi ne, %parallel_loop3A_291, %parallel_loop3A_292 : i32
      %parallel_loop3A_294 = arith.constant 0 : i32
      %parallel_loop3A_295 = arith.cmpi slt, %parallel_loop3A_291, %parallel_loop3A_294 : i32
      %parallel_loop3A_296 = arith.constant 0 : i32
      %parallel_loop3A_297 = arith.cmpi slt, %parallel_loop3A_290, %parallel_loop3A_296 : i32
      %parallel_loop3A_298 = arith.xori %parallel_loop3A_295, %parallel_loop3A_297 : i1
      %parallel_loop3A_299 = arith.andi %parallel_loop3A_298, %parallel_loop3A_293 : i1
      %parallel_loop3A_300 = arith.addi %parallel_loop3A_291, %parallel_loop3A_290 : i32
      %parallel_loop3A_301 = arith.select %parallel_loop3A_299, %parallel_loop3A_300, %parallel_loop3A_291 : i32
      %parallel_loop3A_302 = arith.constant 16 : i32
      %parallel_loop3A_303 = arith.muli %parallel_loop3A_301, %parallel_loop3A_302 : i32
      %parallel_loop3A_304 = arith.constant 256 : i32
      %parallel_loop3A_305 = arith.muli %parallel_loop3A_285, %parallel_loop3A_304 : i32
      %parallel_loop3A_306 = arith.addi %parallel_loop3A_305, %parallel_loop3A_303 : i32
      %parallel_loop3A_307 = vector.broadcast %parallel_loop3A_261 : i32 to vector<16xi32>
      %parallel_loop3A_308 = arith.addi %parallel_loop3A_307, %iota3A : vector<16xi32>
      %parallel_loop3A_309 = arith.index_cast %parallel_loop3A_285 : i32 to index
      %parallel_loop3A_310 = arith.index_cast %parallel_loop3A_303 : i32 to index
      %parallel_loop3A_311 = tpu.vector_load %arg6[%parallel_loop3A_309, %parallel_loop3A_310] {strides = array<i32>} : memref<128x128xf32, #tpu.memory_space<vmem>>, vector<16xf32>,
      %parallel_loop3A_312 = arith.sitofp %parallel_loop3A_308 : vector<16xi32> to vector<16xf32>
      %parallel_loop3A_313 = arith.constant 4.410000e+02 : f32
      %parallel_loop3A_314 = vector.broadcast %parallel_loop3A_313 : f32 to vector<16xf32>
      %parallel_loop3A_315 = arith.mulf %parallel_loop3A_314, %parallel_loop3A_311 : vector<16xf32>
      %parallel_loop3A_316 = arith.constant 5.120000e+02 : f32
      %parallel_loop3A_317 = vector.broadcast %parallel_loop3A_316 : f32 to vector<16xf32>
      %parallel_loop3A_318 = arith.subf %parallel_loop3A_317, %parallel_loop3A_315 : vector<16xf32>
      %parallel_loop3A_319 = arith.addf %parallel_loop3A_312, %parallel_loop3A_318 : vector<16xf32>
      %parallel_loop3A_320 = arith.fptosi %parallel_loop3A_319 : vector<16xf32> to vector<16xi32>
      %parallel_loop3A_321 = arith.sitofp %parallel_loop3A_320 : vector<16xi32> to vector<16xf32>
      %parallel_loop3A_322 = arith.subf %parallel_loop3A_319, %parallel_loop3A_321 : vector<16xf32>
      %parallel_loop3A_323 = arith.subi %parallel_loop3A_320, %parallel_loop3A_308 : vector<16xi32>
      %parallel_loop3A_324 = arith.constant 512 : i32
      %parallel_loop3A_325 = vector.broadcast %parallel_loop3A_324 : i32 to vector<16xi32>
      %parallel_loop3A_326 = arith.subi %parallel_loop3A_323, %parallel_loop3A_325 : vector<16xi32>
      %parallel_loop3A_327 = arith.constant 31 : i32
      %parallel_loop3A_328 = vector.broadcast %parallel_loop3A_327 : i32 to vector<16xi32>
      %parallel_loop3A_329 = arith.shrsi %parallel_loop3A_326, %parallel_loop3A_328 : vector<16xi32>
      %parallel_loop3A_330 = arith.constant 441 : i32
      %parallel_loop3A_331 = vector.broadcast %parallel_loop3A_330 : i32 to vector<16xi32>
      %parallel_loop3A_332 = arith.subi %parallel_loop3A_320, %parallel_loop3A_331 : vector<16xi32>
      %parallel_loop3A_333 = arith.constant 441 : i32
      %parallel_loop3A_334 = vector.broadcast %parallel_loop3A_333 : i32 to vector<16xi32>
      %parallel_loop3A_335 = arith.muli %parallel_loop3A_334, %parallel_loop3A_329 : vector<16xi32>
      %parallel_loop3A_336 = arith.subi %parallel_loop3A_332, %parallel_loop3A_335 : vector<16xi32>
      %parallel_loop3A_337 = arith.constant 1 : i32
      %parallel_loop3A_338 = vector.broadcast %parallel_loop3A_337 : i32 to vector<16xi32>
      %parallel_loop3A_339 = arith.addi %parallel_loop3A_326, %parallel_loop3A_338 : vector<16xi32>
      %parallel_loop3A_340 = arith.constant 31 : i32
      %parallel_loop3A_341 = vector.broadcast %parallel_loop3A_340 : i32 to vector<16xi32>
      %parallel_loop3A_342 = arith.shrsi %parallel_loop3A_339, %parallel_loop3A_341 : vector<16xi32>
      %parallel_loop3A_343 = arith.constant 1 : i32
      %parallel_loop3A_344 = vector.broadcast %parallel_loop3A_343 : i32 to vector<16xi32>
      %parallel_loop3A_345 = arith.addi %parallel_loop3A_320, %parallel_loop3A_344 : vector<16xi32>
      %parallel_loop3A_346 = arith.constant 441 : i32
      %parallel_loop3A_347 = vector.broadcast %parallel_loop3A_346 : i32 to vector<16xi32>
      %parallel_loop3A_348 = arith.subi %parallel_loop3A_345, %parallel_loop3A_347 : vector<16xi32>
      %parallel_loop3A_349 = arith.constant 441 : i32
      %parallel_loop3A_350 = vector.broadcast %parallel_loop3A_349 : i32 to vector<16xi32>
      %parallel_loop3A_351 = arith.muli %parallel_loop3A_350, %parallel_loop3A_342 : vector<16xi32>
      %parallel_loop3A_352 = arith.subi %parallel_loop3A_348, %parallel_loop3A_351 : vector<16xi32>
      %parallel_loop3A_353 = arith.addi %parallel_loop3A_336, %parallel_loop3A_336 : vector<16xi32>
      %parallel_loop3A_354 = arith.constant 127 : i32
      %parallel_loop3A_355 = vector.broadcast %parallel_loop3A_354 : i32 to vector<16xi32>
      %parallel_loop3A_356 = arith.andi %parallel_loop3A_336, %parallel_loop3A_355 : vector<16xi32>
      %parallel_loop3A_357 = arith.subi %parallel_loop3A_353, %parallel_loop3A_356 : vector<16xi32>
      %parallel_loop3A_358 = arith.addi %parallel_loop3A_352, %parallel_loop3A_352 : vector<16xi32>
      %parallel_loop3A_359 = arith.constant 127 : i32
      %parallel_loop3A_360 = vector.broadcast %parallel_loop3A_359 : i32 to vector<16xi32>
      %parallel_loop3A_361 = arith.andi %parallel_loop3A_352, %parallel_loop3A_360 : vector<16xi32>
      %parallel_loop3A_362 = arith.subi %parallel_loop3A_358, %parallel_loop3A_361 : vector<16xi32>
      %parallel_loop3A_363 = arith.constant 128 : i32
      %parallel_loop3A_364 = vector.broadcast %parallel_loop3A_363 : i32 to vector<16xi32>
      %parallel_loop3A_365 = arith.addi %parallel_loop3A_357, %parallel_loop3A_364 : vector<16xi32>
      %parallel_loop3A_366 = arith.constant 128 : i32
      %parallel_loop3A_367 = vector.broadcast %parallel_loop3A_366 : i32 to vector<16xi32>
      %parallel_loop3A_368 = arith.addi %parallel_loop3A_362, %parallel_loop3A_367 : vector<16xi32>
      %parallel_loop3A_369 = tpu.vector_load_idx %arg5[%parallel_loop3A_357] : memref<33792xf32, #tpu.memory_space<vmem>>[vector<16xi32>], vector<16xf32>,
      %parallel_loop3A_370 = tpu.vector_load_idx %arg5[%parallel_loop3A_362] : memref<33792xf32, #tpu.memory_space<vmem>>[vector<16xi32>], vector<16xf32>,
      %parallel_loop3A_371 = tpu.vector_load_idx %arg5[%parallel_loop3A_365] : memref<33792xf32, #tpu.memory_space<vmem>>[vector<16xi32>], vector<16xf32>,
      %parallel_loop3A_372 = tpu.vector_load_idx %arg5[%parallel_loop3A_368] : memref<33792xf32, #tpu.memory_space<vmem>>[vector<16xi32>], vector<16xf32>,
      %parallel_loop3A_373 = arith.constant 1.000000e+00 : f32
      %parallel_loop3A_374 = vector.broadcast %parallel_loop3A_373 : f32 to vector<16xf32>
      %parallel_loop3A_375 = arith.subf %parallel_loop3A_374, %parallel_loop3A_322 : vector<16xf32>
      %parallel_loop3A_376 = arith.constant 1024 : i32
      %parallel_loop3A_377 = arith.addi %parallel_loop3A_376, %parallel_loop3A_306 : i32
      %parallel_loop3A_378 = arith.index_cast %parallel_loop3A_377 : i32 to index
      %parallel_loop3A_379 = tpu.vector_load %arg5[%parallel_loop3A_378] {strides = array<i32>} : memref<33792xf32, #tpu.memory_space<vmem>>, vector<16xf32>,
      %parallel_loop3A_380 = arith.constant 1024 : i32
      %parallel_loop3A_381 = arith.addi %parallel_loop3A_380, %parallel_loop3A_306 : i32
      %parallel_loop3A_382 = arith.constant 128 : i32
      %parallel_loop3A_383 = arith.addi %parallel_loop3A_381, %parallel_loop3A_382 : i32
      %parallel_loop3A_384 = arith.index_cast %parallel_loop3A_383 : i32 to index
      %parallel_loop3A_385 = tpu.vector_load %arg5[%parallel_loop3A_384] {strides = array<i32>} : memref<33792xf32, #tpu.memory_space<vmem>>, vector<16xf32>,
      %parallel_loop3A_386 = arith.mulf %parallel_loop3A_322, %parallel_loop3A_370 : vector<16xf32>
      %parallel_loop3A_387 = arith.addf %parallel_loop3A_379, %parallel_loop3A_386 : vector<16xf32>
      %parallel_loop3A_388 = arith.mulf %parallel_loop3A_375, %parallel_loop3A_369 : vector<16xf32>
      %parallel_loop3A_389 = arith.addf %parallel_loop3A_387, %parallel_loop3A_388 : vector<16xf32>
      %parallel_loop3A_390 = arith.index_cast %parallel_loop3A_306 : i32 to index
      %parallel_loop3A_391 = tpu.vector_load %arg7[%parallel_loop3A_390] {strides = array<i32>} : memref<32768xf32, #tpu.memory_space<vmem>>, vector<16xf32>,
      tpu.vector_store %arg7[%parallel_loop3A_390], %parallel_loop3A_389 {strides = array<i32>} : memref<32768xf32, #tpu.memory_space<vmem>>, vector<16xf32>,
      %parallel_loop3A_392 = arith.mulf %parallel_loop3A_322, %parallel_loop3A_372 : vector<16xf32>
      %parallel_loop3A_393 = arith.addf %parallel_loop3A_385, %parallel_loop3A_392 : vector<16xf32>
      %parallel_loop3A_394 = arith.mulf %parallel_loop3A_375, %parallel_loop3A_371 : vector<16xf32>
      %parallel_loop3A_395 = arith.addf %parallel_loop3A_393, %parallel_loop3A_394 : vector<16xf32>
      %parallel_loop3A_396 = arith.constant 128 : i32
      %parallel_loop3A_397 = arith.addi %parallel_loop3A_306, %parallel_loop3A_396 : i32
      %parallel_loop3A_398 = arith.index_cast %parallel_loop3A_397 : i32 to index
      %parallel_loop3A_399 = tpu.vector_load %arg7[%parallel_loop3A_398] {strides = array<i32>} : memref<32768xf32, #tpu.memory_space<vmem>>, vector<16xf32>,
      tpu.vector_store %arg7[%parallel_loop3A_398], %parallel_loop3A_395 {strides = array<i32>} : memref<32768xf32, #tpu.memory_space<vmem>>, vector<16xf32>,
    } {sc.loop_unroll_factor = 4 : i64, sc.parallel_access}
    %dma_start3A_239 = arith.constant 0 : i32
    %dma_start3A_240 = tpu.memref_slice %arg7[%dma_start3A_239] : memref<32768xf32, #tpu.memory_space<vmem>> -> memref<32768xf32, #tpu.memory_space<vmem>>
    %dma_start3A_241 = arith.constant 0 : i32
    %dma_start3A_242 = tpu.memref_slice %arg4[%add3A, %dma_start3A_241] : memref<32x32768xf32, #tpu.memory_space<hbm>> -> memref<1x32768xf32, #tpu.memory_space<hbm>>
    %dma_start3A_243 = tpu.memref_squeeze %dma_start3A_242 : memref<1x32768xf32, #tpu.memory_space<hbm>> -> memref<32768xf32, #tpu.memory_space<hbm>>
    %dma_start3A_244 = arith.constant 0 : i32
    %dma_start3A_245 = tpu.memref_slice %arg4[%add3A, %dma_start3A_244] : memref<32x32768xf32, #tpu.memory_space<hbm>> -> memref<1x32768xf32, #tpu.memory_space<hbm>>
    %dma_start3A_246 = tpu.memref_squeeze %dma_start3A_245 : memref<1x32768xf32, #tpu.memory_space<hbm>> -> memref<32768xf32, #tpu.memory_space<hbm>>
    %dma_start3A_247 = arith.constant 0 : i32
    %dma_start3A_248 = tpu.memref_slice %arg7[%dma_start3A_247] : memref<32768xf32, #tpu.memory_space<vmem>> -> memref<32768xf32, #tpu.memory_space<vmem>>
    tpu.enqueue_dma source(%dma_start3A_248 : memref<32768xf32, #tpu.memory_space<vmem>>) target(%dma_start3A_246 : memref<32768xf32, #tpu.memory_space<hbm>>) target_semaphore(%arg11 : memref<!tpu.dma_semaphore, #tpu.memory_space<semaphore_mem>>)
    %dma_wait3A_249 = arith.constant 0 : i32
    %dma_wait3A_250 = tpu.memref_slice %arg7[%dma_wait3A_249] : memref<32768xf32, #tpu.memory_space<vmem>> -> memref<32768xf32, #tpu.memory_space<vmem>>
    %dma_wait3A_251 = arith.constant 0 : i32
    %dma_wait3A_252 = tpu.memref_slice %arg4[%add3A, %dma_wait3A_251] : memref<32x32768xf32, #tpu.memory_space<hbm>> -> memref<1x32768xf32, #tpu.memory_space<hbm>>
    %dma_wait3A_253 = tpu.memref_squeeze %dma_wait3A_252 : memref<1x32768xf32, #tpu.memory_space<hbm>> -> memref<32768xf32, #tpu.memory_space<hbm>>
    %dma_wait3A_254 = arith.constant 0 : i32
    %dma_wait3A_255 = tpu.memref_slice %arg4[%add3A, %dma_wait3A_254] : memref<32x32768xf32, #tpu.memory_space<hbm>> -> memref<1x32768xf32, #tpu.memory_space<hbm>>
    %dma_wait3A_256 = tpu.memref_squeeze %dma_wait3A_255 : memref<1x32768xf32, #tpu.memory_space<hbm>> -> memref<32768xf32, #tpu.memory_space<hbm>>
    %dma_wait3A_257 = arith.constant 0 : i32
    %dma_wait3A_258 = tpu.memref_slice %arg7[%dma_wait3A_257] : memref<32768xf32, #tpu.memory_space<vmem>> -> memref<32768xf32, #tpu.memory_space<vmem>>
    tpu.wait_dma2 semaphore(%arg11 : memref<!tpu.dma_semaphore, #tpu.memory_space<semaphore_mem>>) src(%dma_wait3A_258 : memref<32768xf32, #tpu.memory_space<vmem>>) dst(%dma_wait3A_256 : memref<32768xf32, #tpu.memory_space<hbm>>)
    return
  }
}

</mosaic_0001>

<sc_bundles>
// kernel: _flanger.3.cloned.1.call-start
scs
__scs_entry_jumppad:
0x0: {  	(pc) =	sbr.rel $0x88, $3  }
0x1: {  	(tag) =	ssettag $0x0;
	lr =	simm.s32 $0x1  }
0x2: {  	[smem:$0x3F9F] =	sst lr;
	_ =	strace $0xD0000000  }
0x3: {  	_ = 	snop  }
0x4: {  	_ = 	snop  }
0x5: {  	_ = 	snop  }
0x6: {  	_ = 	snop  }
0x7: {  	_ = 	snop  }
__scs_overlays_trampoline_lowered:
0x8: {  	[smem:$0x3FAE] =	sst s0  }
0x9: {  	[smem:$0x3FAF] =	sst s1  }
0xa: {  	[smem:$0x3FB0] =	sst s2  }
0xb: {  	[smem:$0x3FB1] =	sst s3  }
0xc: {  	[smem:$0x3FB2] =	sst s4  }
0xd: {  	[smem:$0x3FB3] =	sst s5  }
0xe: {  	[smem:$0x3FB4] =	sst s6  }
0xf: {  	[smem:$0x3FB5] =	sst s7  }
0x10: {  	[smem:$0x3FB6] =	sst s8  }
0x11: {  	[smem:$0x3FB7] =	sst s9;
	s0 =	simm.s32 @!p0 $0x0  }
0x12: {  	s1 =	sld [smem:$0x3F9D];
	s0 =	simm.s32 @p0 $0x1  }
0x13: {  	[smem:$0x3FB8] =	sst s0;
	s0 =	simm.s32 @!p1 $0x0  }
0x14: {  	s2 =	sld [smem:$0x3F9C];
	s0 =	simm.s32 @p1 $0x1  }
0x15: {  	[smem:$0x3FB9] =	sst s0;
	s0 =	simm.s32 @!p2 $0x0  }
0x16: {  	s3 =	sld [smem:$0x3FDB];
	s0 =	simm.s32 @p2 $0x1  }
0x17: {  	s4 =	simm.s32 $0x1BF5;
	[smem:$0x3FBB] =	sst s0  }
0x18: {  	s0 =	sld [smem:$0x3F9E];
	_ =	swait.ge [sflag:s4], $0x0  }
0x19: {  	s7 =	sld [smem:$0x3F9F]  }
0x1a: {  	s8 =	sadd.s32 $0xFFFFE003, lr  }
0x1b: {  	s9 =	sadd.s32 $0xFFFFFEF7, lr;
	s5 =	simm.s32 $0xFFFFFFFF;
	p2 =	slt.u32 s8, $0xFFFFF086  }
0x1c: {  	p1 =	slt.u32 s9, $0xF7A;
	s5 =	simm.s32 @!p2 $0x0  }
0x1d: {  	s5 =	simm.s32 @p1 $0x1;
	p0 =	seq.s32 s7, s2  }
0x1e: {  	s7 =	smul.u32 @!p0 $0xF7A, s2;
	p2 =	seq.s32 @!p0 s5, $0x0  }
0x1f: {  	s9 =	smul.u32 $0xF7A, s1;
	s8 =	simm.s32 @!p0 $0x1BF5;
	p2 =	por !p2, p0  }
0x20: {  	[sflag:s8] =	ssyncset.s32 @!p0 $0xFFFFF086;
	s6 =	sadd.s32 @!p0 s3, s7;
	s7 =	simm.s32 @!p0 $0x108  }
0x21: {  	s3 =	sadd.s32 s3, s9;
	s6 =	sadd.s32 @!p0 $0x88, s6;
	s7 =	simm.s32 @p2 $0x1082  }
0x22: {  	[simem:s7], [sflag:s8] =	dma.local @!p0 [hbm:s6], $0xF7A  }
0x23: {  	s9 =	sor.u32 $0xD0000000, s2;
	s6 =	simm.s32 $0x108;
	_ =	swait.ge @!p0 [sflag:s8], $0x0  }
0x24: {  	s3 =	sadd.s32 $0x88, s3;
	s6 =	simm.s32 @!p1 $0x1082;
	[sflag:s4] =	ssyncset.s32 $0xFFFFF086  }
0x25: {  	[simem:s6], [sflag:s4] =	dma.local [hbm:s3], $0xF7A  }
0x26: {  	[smem:$0x3F9F] =	sst s1;
	(tag) =	ssettag s2;
	_ =	strace s9  }
0x27: {  	s1 =	sld [smem:$0x3FAF]  }
0x28: {  	s2 =	sld [smem:$0x3FB0]  }
0x29: {  	s4 =	sld [smem:$0x3FB2]  }
0x2a: {  	p0 =	seq.s32 s5, $0x0;
	s5 =	sld [smem:$0x3FB3]  }
0x2b: {  	s6 =	sld [smem:$0x3FB4]  }
0x2c: {  	s7 =	sld [smem:$0x3FB5]  }
0x2d: {  	s3 =	simm.s32 $0x108;
	s8 =	sld [smem:$0x3FB6]  }
0x2e: {  	s3 =	simm.s32 @!p0 $0x1082;
	s9 =	sld [smem:$0x3FB7]  }
0x2f: {  	lr =	sadd.s32 s0, s3;
	s0 =	sld [smem:$0x3FAE]  }
0x30: {  	s3 =	sld [smem:$0x3FB1]  }
0x31: {  	[smem:$0x3FBA] =	sst s10  }
0x32: {  	s10 =	sld [smem:$0x3FB8];
	_ =	sdelay $0x3  }
0x33: {  	p0 =	seq.s32 s10, $0x1;
	s10 =	sld [smem:$0x3FBA];
	_ =	sdelay $0x3  }
0x34: {  	[smem:$0x3FBA] =	sst s10  }
0x35: {  	s10 =	sld [smem:$0x3FB9];
	_ =	sdelay $0x3  }
0x36: {  	p1 =	seq.s32 s10, $0x1;
	s10 =	sld [smem:$0x3FBA];
	_ =	sdelay $0x3  }
0x37: {  	[smem:$0x3FBA] =	sst s10  }
0x38: {  	s10 =	sld [smem:$0x3FBB]  }
0x39: {  	_ = 	snop;
	(pc) =	sbr.ind lr, $3  }
0x3a: {  	_ = 	snop  }
0x3b: {  	_ = 	snop  }
0x3c: {  	p2 =	seq.s32 s10, $0x1;
	s10 =	sld [smem:$0x3FBA]  }
0x3d: {  	_ =	shalt  }
0x3e: {  	_ =	shalt  }
0x3f: {  	_ =	shalt  }
0x40: {  	_ =	shalt  }
0x41: {  	_ =	shalt  }
0x42: {  	_ =	shalt  }
0x43: {  	_ =	shalt  }
0x44: {  	_ =	shalt  }
0x45: {  	_ =	shalt  }
0x46: {  	_ =	shalt  }
0x47: {  	_ =	shalt  }
0x48: {  	_ =	shalt  }
0x49: {  	_ =	shalt  }
0x4a: {  	_ =	shalt  }
0x4b: {  	_ =	shalt  }
0x4c: {  	_ =	shalt  }
0x4d: {  	_ =	shalt  }
0x4e: {  	_ =	shalt  }
0x4f: {  	_ =	shalt  }
0x50: {  	_ =	shalt  }
0x51: {  	_ =	shalt  }
0x52: {  	_ =	shalt  }
0x53: {  	_ =	shalt  }
0x54: {  	_ =	shalt  }
0x55: {  	_ =	shalt  }
0x56: {  	_ =	shalt  }
0x57: {  	_ =	shalt  }
0x58: {  	_ =	shalt  }
0x59: {  	_ =	shalt  }
0x5a: {  	_ =	shalt  }
0x5b: {  	_ =	shalt  }
0x5c: {  	_ =	shalt  }
0x5d: {  	_ =	shalt  }
0x5e: {  	_ =	shalt  }
0x5f: {  	_ =	shalt  }
0x60: {  	_ =	shalt  }
0x61: {  	_ =	shalt  }
0x62: {  	_ =	shalt  }
0x63: {  	_ =	shalt  }
0x64: {  	_ =	shalt  }
0x65: {  	_ =	shalt  }
0x66: {  	_ =	shalt  }
0x67: {  	_ =	shalt  }
0x68: {  	_ =	shalt  }
0x69: {  	_ =	shalt  }
0x6a: {  	_ =	shalt  }
0x6b: {  	_ =	shalt  }
0x6c: {  	_ =	shalt  }
0x6d: {  	_ =	shalt  }
0x6e: {  	_ =	shalt  }
0x6f: {  	_ =	shalt  }
0x70: {  	_ =	shalt  }
0x71: {  	_ =	shalt  }
0x72: {  	_ =	shalt  }
0x73: {  	_ =	shalt  }
0x74: {  	_ =	shalt  }
0x75: {  	_ =	shalt  }
0x76: {  	_ =	shalt  }
0x77: {  	_ =	shalt  }
0x78: {  	_ =	shalt  }
0x79: {  	_ =	shalt  }
0x7a: {  	_ =	shalt  }
0x7b: {  	_ =	shalt  }
0x7c: {  	_ =	shalt  }
0x7d: {  	_ =	shalt  }
0x7e: {  	_ =	shalt  }
0x7f: {  	_ =	shalt  }
0x80: {  	_ =	shalt  }
0x81: {  	_ =	shalt  }
0x82: {  	_ =	shalt  }
0x83: {  	_ =	shalt  }
0x84: {  	_ =	shalt  }
0x85: {  	_ =	shalt  }
0x86: {  	_ =	shalt  }
0x87: {  	_ =	shalt  }
.Lfunc_end0:
.L_simem_size_0:
called_computation_lowered:
.L_overlay_start_0:
0x88: {  	s2 =	sld [smem:$0x3FD9]  }
0x89: {  	s3 =	sld [smem:$0x3FFE];
	_ =	sdelay $0x1  }
0x8a: {  	s1 =	srdreg.scid  }
0x8b: {  	s0 =	sand.u32 $0x1, s1  }
0x8c: {  	s18 =	sshll.u32 s0, $0xA;
	s2 =	sadd.s32 s3, s2  }
0x8d: {  	s2 =	sadd.s32 s2, s18  }
0x8e: {  	[smem:$0x3FC6] =	sst s2  }
0x8f: {  	_ = 	snop  }
0x90: {  	s2 =	sld [smem:$0x3FC9]  }
0x91: {  	s19 =	sld [smem:$0x3FC8]  }
0x92: {  	s4 =	sld [smem:$0x3FD0];
	(tm) =	ssettm $0x1  }
0x93: {  	s5 =	sld [smem:$0x3FFB];
	_ =	sdelay $0x3  }
0x94: {  	_ =	strace s5  }
0x95: {  	s5 =	sld [smem:$0x3FFC];
	_ =	sdelay $0x3  }
0x96: {  	_ =	strace s5  }
0x97: {  	s5 =	sld [smem:$0x3FFD];
	_ =	sdelay $0x3  }
0x98: {  	_ =	strace s5  }
0x99: {  	_ =	strace $0x8FFFFFFF  }
0x9a: {  	s20 =	sld [smem:$0x3FDB];
	_ =	sdelay $0x1  }
0x9b: {  	s6 =	simm.s32 $_scs_section_size  }
0x9c: {  	s7 =	simm.s32 $_size__tile_overlayer_lowered;
	s8 =	simm.s32 $_tile_overlayer_lowered  }
0x9d: {  	s23 =	simm.s32 $0x1BFF;
	s22 =	sshll.u32 s8, $0x1;
	s5 =	sadd.s32 s6, s20  }
0x9e: {  	s9 =	simm.s32 $0x0;
	s21 =	sshll.u32 s7, $0x1;
	s7 =	sadd.s32 s22, s5  }
0x9f: {  	[timem:s9], [sflag:s23] =	dma.local [hbm:s7], s21  }
0xa0: {  	_ =	swait.ge [sflag:s23], s21  }
0xa1: {  	s6 =	ssub.s32 $0x0, s21;
	[sflag:s23] =	ssyncset.done $0x0  }
0xa2: {  	[sflag:s23] =	ssyncadd.s32 s6;
	_ =	sdelay $0x1  }
0xa3: {  	s24 =	simm.s32 $0x1B8B  }
0xa4: {  	_ =	swait.ge [sflag:s24], $0x1  }
0xa5: {  	[sflag:s24] =	ssyncset.done $0x0  }
0xa6: {  	s25 =	simm.s32 $0x1B8E;
	[sflag:s24] =	ssyncadd.s32 $0xFFFFFFFF  }
0xa7: {  	s26 =	simm.s32 $execute0_lowered;
	[smem:$0x3FD2] =	sst s25  }
0xa8: {  	s6 =	sshll.u32 s26, $0x1;
	_ =	strace $0x80000046;
	[dreg:$0x1] =	wrdreg $0xFFFFFFFF  }
0xa9: {  	s28 =	simm.s32 $_size_execute0_lowered;
	s5 =	sadd.s32 s5, s6;
	[dreg:$0x0] =	wrdreg $0x0  }
0xaa: {  	s6 =	sshll.u32 s28, $0x1;
	[dreg:$0x2] =	wrdreg s5  }
0xab: {  	[dreg:$0x3] =	wrdreg s6  }
0xac: {  	[dreg:$0x4] =	wrdreg $0xC0  }
0xad: {  	_ =	task [dreg:s9], $0x5FFFF  }
0xae: {  	[dreg:$0x1] =	wrdreg $0xFFFFFFFF  }
0xaf: {  	[dreg:$0x0] =	wrdreg $0x60  }
0xb0: {  	[dreg:$0x2] =	wrdreg s2  }
0xb1: {  	[dreg:$0x3] =	wrdreg s19  }
0xb2: {  	[dreg:$0x4] =	wrdreg s4  }
0xb3: {  	[dreg:$0x5] =	wrdreg $0x9  }
0xb4: {  	_ =	task.clear_ibuf [dreg:s9], $0x6FFFF;
	_ =	strace $0x90000046  }
0xb5: {  	s29 =	simm.s32 $0x9;
	_ =	strace $0x80000048  }
0xb6: {  	_ =	swait.ge [sflag:s29], $0x1  }
0xb7: {  	[sflag:s29] =	ssyncadd.s32 $0xFFFFFFFF  }
0xb8: {  	_ =	strace $0x90000048  }
0xb9: {  	_ =	sfence  }
0xba: {  	s30 =	sld [smem:$0x0];
	_ =	sdelay $0x2  }
0xbb: {  	s31 =	sshll.u32 s1, $0xD;
	s1 =	sshrl.u32 s1, $0x2  }
0xbc: {  	s3 =	sand.u32 $0x4000, s31;
	s1 =	sadd.s32 s1, s30  }
0xbd: {  	s0 =	sor.u32 s3, s0;
	s1 =	sshll.u32 s1, $0x11  }
0xbe: {  	s0 =	sor.u32 s1, s0  }
0xbf: {  	s0 =	sadd.s32 $0x8F2B, s0  }
0xc0: {  	[sflag:s0] =	ssyncadd.remote.s32 $0x1  }
0xc1: {  	_ =	sfence.sel $0xFFFF  }
0xc2: {  	[dreg:$0x0] =	wrdreg $0xFFFFFFFF;
	(pc) =	sbr.abs _section_cstart, $3  }
0xc3: {  	[dreg:$0x1] =	wrdreg $0xFFFFFFFF  }
0xc4: {  	_ =	task.clear_ibuf [dreg:s9], $0x2FFFF;
	_ =	strace $0x9FFFFFFF  }
0xc5: {  	(tm) =	ssettm $0x7FFFFFFF  }
tec
execute0_lowered:
.L_overlay_start_1:
0x0: {  	(tag) =	ssettag $0x1  }
0x1: {  	s4 =	rddreg [dreg:$0x0]  }
0x2: {  	s2 =	rddreg [dreg:$0x1]  }
0x3: {  	s5 =	rddreg [dreg:$0x2]  }
0x4: {  	s3 =	srdreg.scid;
	s1 =	stileid.u32  }
0x5: {  	s0 =	rddreg [dreg:$0x3];
	s6 =	sand.u32 $0x1, s3;
	s7 =	sshll.u32 s1, $0x1  }
0x6: {  	s3 =	simm.s32 $0x0;
	s8 =	sshll.u32 s1, $0x8;
	s7 =	sor.u32 s6, s7  }
0x7: {  	[smem:$0x7FF] =	sst s3;
	s6 =	ssub.s32 $0x2, s6;
	s8 =	sor.u32 s8, s7  }
0x8: {  	_ =	strace $0x80000047;
	s9 =	sshrl.u32 s6, $0x1;
	s7 =	sshll.u32 s7, $0xC  }
0x9: {  	s8 =	sand.u32 $0xC07, s8;
	s6 =	ssub.s32 s6, s9;
	s4 =	sadd.s32 s4, s7  }
0xa: {  	v0 =	vlaneseq.u32;
	s5 =	sadd.s32 s5, s7;
	s7 =	simm.s32 $0x80;
	s9 =	simm.s32 $0x8400  }
0xb: {  	v8 =	vmul.u32 $0x8, v0;
	s31 =	sor.u32 $0x80, s8;
	s10 =	sor.u32 $0x100, s8;
	s11 =	sor.u32 $0x180, s8  }
0xc: {  	s12 =	sor.u32 $0x200, s8;
	s13 =	sor.u32 $0x280, s8;
	s14 =	sor.u32 $0x300, s8  }
0xd: {  	v9 =	vimm.f32 $0.0e+00;
	s15 =	sor.u32 $0x380, s8;
	s6 =	smax.u32 s6, $0x1;
	v1 =	vor.u32 s8, v8;
	s8 =	simm.s32 $0x14400;
	v2 =	vor.u32 s31, v8  }
0xe: {  	v3 =	vor.u32 s10, v8;
	v4 =	vor.u32 s11, v8;
	v5 =	vor.u32 s12, v8;
	s10 =	simm.s32 $0x400;
	s11 =	simm.s32 $0x1;
	s12 =	simm.s32 $0x2  }
0xf: {  	v6 =	vor.u32 s13, v8;
	v7 =	vor.u32 s14, v8;
	v8 =	vor.u32 s15, v8;
	s13 =	simm.s32 $0xC400;
	s14 =	simm.s32 $0x3;
	s15 =	simm.s32 $0x0  }
.LBB2_1:
0x10: {  	[tilespmem:$0x14400] =	vst v1  }
0x11: {  	[tilespmem:$0x14410] =	vst v2  }
0x12: {  	[tilespmem:$0x14420] =	vst v3  }
0x13: {  	[tilespmem:$0x14430] =	vst v4  }
0x14: {  	[tilespmem:$0x14440] =	vst v5  }
0x15: {  	[tilespmem:$0x14450] =	vst v6  }
0x16: {  	[tilespmem:$0x14460] =	vst v7  }
0x17: {  	[tilespmem:$0x14470] =	vst v8  }
0x18: {  	[tilespmem:s9], [sflag:$0x1] =	stream.indirect.gather [hbm4b:s2+s7], $0x80, s8, s7, $0xb8;
	[tilespmem:$0x14480] =	vst v63  }
0x19: {  	_ = 	snop  }
0x1a: {  	[tilespmem:s10], [sflag:$0x2] =	stream.linear.gather [hbm4b:s4+s3], $0x8000, $0x38;
	[tilespmem:$0x14480] =	vst v63  }
0x1b: {  	[tilespmem:$0x0] =	vst v9  }
0x1c: {  	[tilespmem:$0x10] =	vst v9  }
0x1d: {  	[tilespmem:$0x20] =	vst v9  }
0x1e: {  	[tilespmem:$0x30] =	vst v9  }
0x1f: {  	[tilespmem:$0x40] =	vst v9  }
0x20: {  	[tilespmem:$0x50] =	vst v9  }
0x21: {  	[tilespmem:$0x60] =	vst v9  }
0x22: {  	[tilespmem:$0x70] =	vst v9  }
0x23: {  	[tilespmem:$0x80] =	vst v9  }
0x24: {  	[tilespmem:$0x90] =	vst v9  }
0x25: {  	[tilespmem:$0xA0] =	vst v9  }
0x26: {  	[tilespmem:$0xB0] =	vst v9  }
0x27: {  	[tilespmem:$0xC0] =	vst v9  }
0x28: {  	[tilespmem:$0xD0] =	vst v9  }
0x29: {  	[tilespmem:$0xE0] =	vst v9  }
0x2a: {  	[tilespmem:$0xF0] =	vst v9  }
0x2b: {  	[tilespmem:$0x100] =	vst v9  }
0x2c: {  	[tilespmem:$0x110] =	vst v9  }
0x2d: {  	[tilespmem:$0x120] =	vst v9  }
0x2e: {  	[tilespmem:$0x130] =	vst v9  }
0x2f: {  	[tilespmem:$0x140] =	vst v9  }
0x30: {  	[tilespmem:$0x150] =	vst v9  }
0x31: {  	[tilespmem:$0x160] =	vst v9  }
0x32: {  	[tilespmem:$0x170] =	vst v9  }
0x33: {  	[tilespmem:$0x180] =	vst v9  }
0x34: {  	[tilespmem:$0x190] =	vst v9  }
0x35: {  	[tilespmem:$0x1A0] =	vst v9  }
0x36: {  	[tilespmem:$0x1B0] =	vst v9  }
0x37: {  	[tilespmem:$0x1C0] =	vst v9  }
0x38: {  	[tilespmem:$0x1D0] =	vst v9  }
0x39: {  	[tilespmem:$0x1E0] =	vst v9  }
0x3a: {  	[tilespmem:$0x1F0] =	vst v9  }
0x3b: {  	[tilespmem:$0x200] =	vst v9  }
0x3c: {  	[tilespmem:$0x210] =	vst v9  }
0x3d: {  	[tilespmem:$0x220] =	vst v9  }
0x3e: {  	[tilespmem:$0x230] =	vst v9  }
0x3f: {  	[tilespmem:$0x240] =	vst v9  }
0x40: {  	[tilespmem:$0x250] =	vst v9  }
0x41: {  	[tilespmem:$0x260] =	vst v9  }
0x42: {  	[tilespmem:$0x270] =	vst v9  }
0x43: {  	[tilespmem:$0x280] =	vst v9  }
0x44: {  	[tilespmem:$0x290] =	vst v9  }
0x45: {  	[tilespmem:$0x2A0] =	vst v9  }
0x46: {  	[tilespmem:$0x2B0] =	vst v9  }
0x47: {  	[tilespmem:$0x2C0] =	vst v9  }
0x48: {  	[tilespmem:$0x2D0] =	vst v9  }
0x49: {  	[tilespmem:$0x2E0] =	vst v9  }
0x4a: {  	[tilespmem:$0x2F0] =	vst v9  }
0x4b: {  	[tilespmem:$0x300] =	vst v9  }
0x4c: {  	[tilespmem:$0x310] =	vst v9  }
0x4d: {  	[tilespmem:$0x320] =	vst v9  }
0x4e: {  	[tilespmem:$0x330] =	vst v9  }
0x4f: {  	[tilespmem:$0x340] =	vst v9  }
0x50: {  	[tilespmem:$0x350] =	vst v9  }
0x51: {  	[tilespmem:$0x360] =	vst v9  }
0x52: {  	[tilespmem:$0x370] =	vst v9  }
0x53: {  	[tilespmem:$0x380] =	vst v9  }
0x54: {  	[tilespmem:$0x390] =	vst v9  }
0x55: {  	[tilespmem:$0x3A0] =	vst v9  }
0x56: {  	[tilespmem:$0x3B0] =	vst v9  }
0x57: {  	[tilespmem:$0x3C0] =	vst v9  }
0x58: {  	[tilespmem:$0x3D0] =	vst v9  }
0x59: {  	[tilespmem:$0x3E0] =	vst v9  }
0x5a: {  	[tilespmem:$0x3F0] =	vst v9  }
0x5b: {  	_ =	swait.ge [sflag:s11], $0x4000  }
0x5c: {  	s16 =	simm.s32 $0x0;
	s20 =	simm.s32 $0x30;
	[sflag:s11] =	ssyncset.done $0x0  }
0x5d: {  	s22 =	simm.s32 $0x0;
	s23 =	simm.s32 $0x10;
	[sflag:s11] =	ssyncadd.s32 $0xFFFFC000  }
0x5e: {  	s24 =	simm.s32 $0x20;
	s16 =	sand.u32 $0x3FFFFF80, s16;
	_ =	swait.ge [sflag:s12], $0x8000  }
0x5f: {  	s18 =	sand.u32 $0x70, s20;
	s21 =	sadd.s32 $0x8400, s16;
	[sflag:s12] =	ssyncset.done $0x0  }
0x60: {  	s19 =	sand.u32 $0x40, s22;
	s16 =	sor.u32 s18, s21;
	[sflag:s12] =	ssyncadd.s32 $0xFFFF8000  }
0x61: {  	s29 =	sand.u32 $0x50, s23;
	s17 =	sand.u32 $0x60, s24;
	s25 =	sor.u32 s19, s21;
	v10 =	vld [tilespmem:s16+$0x0]  }
0x62: {  	s26 =	sor.u32 s29, s21;
	s21 =	sor.u32 s17, s21;
	v11 =	vld [tilespmem:s25+$0x0]  }
0x63: {  	v13 =	vld [tilespmem:s21+$0x0]  }
0x64: {  	v12 =	vld [tilespmem:s26+$0x0];
	_ =	sdelay $0x1  }
0x65: {  	v14 =	vor.u32 s22, v0  }
0x66: {  	v16 =	vor.u32 s20, v0;
	v15 =	vcvt.s32.f32 v14;
	v10 =	vmul.f32 $4.410000000e+02, v10  }
0x67: {  	v19 =	vor.u32 s24, v0;
	v11 =	vmul.f32 $4.410000000e+02, v11;
	v13 =	vmul.f32 $4.410000000e+02, v13  }
0x68: {  	v17 =	vcvt.s32.f32 v16;
	v12 =	vmul.f32 $4.410000000e+02, v12;
	v10 =	vsub.f32 $5.120000000e+02, v10  }
0x69: {  	v20 =	vcvt.s32.f32 v19;
	v11 =	vsub.f32 $5.120000000e+02, v11;
	v13 =	vsub.f32 $5.120000000e+02, v13  }
0x6a: {  	v18 =	vor.u32 s23, v0;
	v12 =	vsub.f32 $5.120000000e+02, v12;
	v10 =	vadd.f32 v17, v10  }
0x6b: {  	v17 =	vcvt.s32.f32 v18;
	v11 =	vadd.f32 v15, v11;
	v13 =	vadd.f32 v20, v13  }
0x6c: {  	v15 =	vtrunc.f32 v10  }
0x6d: {  	v12 =	vadd.f32 v17, v12;
	v17 =	vtrunc.f32 v11;
	v21 =	vtrunc.f32 v13  }
0x6e: {  	v15 =	vcvt.f32.s32 v15;
	v17 =	vcvt.f32.s32 v17  }
0x6f: {  	v21 =	vcvt.f32.s32 v21;
	v20 =	vtrunc.f32 v12  }
0x70: {  	v16 =	vsub.s32 v15, v16;
	v20 =	vcvt.f32.s32 v20  }
0x71: {  	v14 =	vsub.s32 v17, v14;
	v25 =	vadd.s32 $0xFFFFFE47, v15;
	v19 =	vsub.s32 v21, v19  }
0x72: {  	v33 =	vadd.s32 $0xFFFFFE47, v21;
	v22 =	vadd.s32 $0xFFFFFE01, v16;
	v23 =	vadd.s32 $0xFFFFFE01, v14  }
0x73: {  	v16 =	vadd.s32 $0xFFFFFE00, v16;
	v14 =	vadd.s32 $0xFFFFFE00, v14;
	v22 =	vshra.s32 v22, $0x1F  }
0x74: {  	v18 =	vsub.s32 v20, v18;
	vm0 =	vlt.s32 v16, $0x0;
	v23 =	vshra.s32 v23, $0x1F  }
0x75: {  	vm11 =	vlt.s32 v14, $0x0;
	v22 =	vand.u32 $0x1B9, v22;
	v24 =	vadd.s32 $0xFFFFFE01, v18  }
0x76: {  	v25 =	vsel vm0, v15, v25;
	v23 =	vand.u32 $0x1B9, v23;
	v18 =	vadd.s32 $0xFFFFFE00, v18  }
0x77: {  	v22 =	vadd.s32 v22, v15;
	v24 =	vshra.s32 v24, $0x1F;
	v23 =	vadd.s32 v23, v17  }
0x78: {  	v15 =	vcvt.s32.f32 v15;
	vm1 =	vlt.s32 v18, $0x0;
	v18 =	vadd.s32 $0xFFFFFE47, v20  }
0x79: {  	v22 =	vadd.s32 $0xFFFFFE48, v22;
	v24 =	vand.u32 $0x1B9, v24;
	v23 =	vadd.s32 $0xFFFFFE48, v23  }
0x7a: {  	s30 =	simm.s32 $0x0;
	v16 =	vshll.u32 v22, $0x1;
	v22 =	vand.u32 $0x7F, v22;
	v24 =	vadd.s32 v24, v20  }
0x7b: {  	s31 =	sand.u32 $0xFFFFFF00, s30;
	v28 =	vshll.u32 v23, $0x1;
	v23 =	vand.u32 $0x7F, v23;
	v22 =	vsub.s32 v16, v22  }
0x7c: {  	s22 =	sor.u32 s31, s18;
	v16 =	vshll.u32 v25, $0x1;
	v25 =	vand.u32 $0x7F, v25;
	v26 =	vadd.s32 $0x80, v22  }
0x7d: {  	s20 =	sor.u32 s19, s31;
	v30 =	vld [tilespmem:s22+$0x480];
	v10 =	vsub.f32 v10, v15;
	v15 =	vadd.s32 $0xFFFFFE47, v17;
	v25 =	vsub.s32 v16, v25  }
0x7e: {  	s23 =	simm.s32 $0x40;
	v32 =	vld [tilespmem:s20+$0x400];
	v24 =	vadd.s32 $0xFFFFFE48, v24;
	v23 =	vsub.s32 v28, v23;
	v27 =	vadd.s32 $0x80, v25  }
0x7f: {  	s24 =	sand.u32 $0x3FFFFF80, s23;
	s18 =	simm.s32 $0x70;
	s16 =	sor.u32 s31, s29;
	v36 =	vld [tilespmem:s22+$0x400];
	v15 =	vsel vm11, v17, v15;
	v17 =	vcvt.s32.f32 v17;
	v16 =	vadd.s32 $0xFFFFFE01, v19  }
0x80: {  	s19 =	sand.u32 $0x70, s18;
	s26 =	sadd.s32 $0x8400, s24;
	v35 =	vld [tilespmem:s16+$0x480];
	v19 =	vadd.s32 $0xFFFFFE00, v19;
	v29 =	vshll.u32 v24, $0x1;
	v24 =	vand.u32 $0x7F, v24  }
0x81: {  	s30 =	sor.u32 s19, s26;
	v34 =	vsub.f32 $1.000000000e+00, v10;
	v16 =	vshra.s32 v16, $0x1F;
	vm2 =	vlt.s32 v19, $0x0;
	v26 =	vld.idx.msk [tilespmem:v26+s3+$0x0], $0xffff  }
0x82: {  	v48 =	vld [tilespmem:s30+$0x0];
	v24 =	vsub.s32 v29, v24;
	v16 =	vand.u32 $0x1B9, v16;
	v33 =	vsel vm2, v21, v33  }
0x83: {  	v16 =	vadd.s32 v16, v21;
	v39 =	vshll.u32 v33, $0x1;
	v33 =	vand.u32 $0x7F, v33;
	v27 =	vld.idx.msk [tilespmem:v27+s3+$0x0], $0xffff  }
0x84: {  	v14 =	vld [tilespmem:s20+$0x480];
	v11 =	vsub.f32 v11, v17;
	v16 =	vadd.s32 $0xFFFFFE48, v16;
	v33 =	vsub.s32 v39, v33  }
0x85: {  	s17 =	sor.u32 s31, s17;
	v19 =	vld [tilespmem:s16+$0x400];
	v31 =	vshll.u32 v16, $0x1;
	v16 =	vand.u32 $0x7F, v16;
	v17 =	vadd.s32 $0x80, v33  }
0x86: {  	v29 =	vld [tilespmem:s17+$0x400];
	v28 =	vsub.s32 v31, v16;
	v31 =	vadd.s32 $0x80, v24;
	v26 =	vmul.f32 v10, v26  }
0x87: {  	v18 =	vsel vm1, v20, v18;
	v20 =	vcvt.s32.f32 v20;
	v22 =	vld.idx.msk [tilespmem:v22+s3+$0x0], $0xffff  }
0x88: {  	v25 =	vld.idx.msk [tilespmem:v25+s3+$0x0], $0xffff;
	v16 =	vadd.f32 v26, v30;
	v26 =	vmul.f32 v34, v27;
	v27 =	vadd.s32 $0x80, v23  }
0x89: {  	v12 =	vsub.f32 v12, v20;
	v20 =	vld.idx.msk [tilespmem:v24+s3+$0x0], $0xffff;
	v37 =	vadd.s32 $0x80, v28  }
0x8a: {  	v49 =	vld.idx.msk [tilespmem:v17+s3+$0x0], $0xffff;
	v16 =	vadd.f32 v26, v16;
	v26 =	vshll.u32 v15, $0x1;
	v15 =	vand.u32 $0x7F, v15  }
0x8b: {  	v38 =	vshll.u32 v18, $0x1;
	v18 =	vand.u32 $0x7F, v18;
	v31 =	vld.idx.msk [tilespmem:v31+s3+$0x0], $0xffff;
	v15 =	vsub.s32 v26, v15  }
0x8c: {  	v18 =	vsub.s32 v38, v18;
	v21 =	vcvt.s32.f32 v21;
	v23 =	vld.idx.msk [tilespmem:v23+s3+$0x0], $0xffff;
	v26 =	vadd.s32 $0x80, v15  }
0x8d: {  	s28 =	simm.s32 $0x60;
	v38 =	vadd.s32 $0x80, v18;
	v27 =	vld.idx.msk [tilespmem:v27+s3+$0x0], $0xffff  }
0x8e: {  	v40 =	vor.u32 s28, v0;
	s25 =	simm.s32 $0x40;
	s29 =	simm.s32 $0x50;
	v13 =	vsub.f32 v13, v21;
	v10 =	vmul.f32 v10, v22;
	v21 =	vld.idx.msk [tilespmem:v28+s3+$0x0], $0xffff  }
0x8f: {  	v42 =	vcvt.s32.f32 v40;
	v62 =	vor.u32 s25, v0;
	v63 =	vor.u32 s29, v0;
	v37 =	vld.idx.msk [tilespmem:v37+s3+$0x0], $0xffff  }
0x90: {  	v50 =	vcvt.s32.f32 v62;
	v24 =	vmul.f32 v34, v25;
	v30 =	vld [tilespmem:s17+$0x480];
	v10 =	vadd.f32 v10, v36  }
0x91: {  	s23 =	sand.u32 $0x50, s29;
	v22 =	vsub.f32 $1.000000000e+00, v11;
	v28 =	vsub.f32 $1.000000000e+00, v13;
	v31 =	vmul.f32 v12, v31;
	v25 =	vld.idx.msk [tilespmem:v26+s3+$0x0], $0xffff  }
0x92: {  	s25 =	sand.u32 $0x40, s25;
	s31 =	sor.u32 s23, s26;
	v24 =	vadd.f32 v24, v10;
	v23 =	vmul.f32 v11, v23;
	v11 =	vmul.f32 v11, v27;
	v27 =	vld.idx.msk [tilespmem:v38+s3+$0x0], $0xffff  }
0x93: {  	s24 =	sand.u32 $0x60, s28;
	s21 =	sor.u32 s25, s26;
	v51 =	vld [tilespmem:s31+$0x0];
	v26 =	vsub.f32 $1.000000000e+00, v12;
	v12 =	vmul.f32 v12, v20;
	v20 =	vadd.f32 v31, v35  }
0x94: {  	s29 =	sor.u32 s24, s26;
	v31 =	vmul.f32 v13, v37;
	v13 =	vmul.f32 v13, v21;
	v11 =	vadd.f32 v11, v14;
	v14 =	vld [tilespmem:s21+$0x0]  }
0x95: {  	v41 =	vcvt.s32.f32 v63;
	v10 =	vld [tilespmem:s29+$0x0];
	v23 =	vadd.f32 v23, v32;
	v17 =	vadd.f32 v12, v19  }
0x96: {  	v18 =	vld.idx.msk [tilespmem:v18+s3+$0x0], $0xffff;
	v21 =	vadd.f32 v13, v29;
	v13 =	vmul.f32 v28, v49;
	v25 =	vmul.f32 v22, v25  }
0x97: {  	v12 =	vld.idx.msk [tilespmem:v15+s3+$0x0], $0xffff;
	v19 =	vadd.f32 v31, v30;
	v15 =	vmul.f32 v26, v27;
	v27 =	vmul.f32 $4.410000000e+02, v48  }
0x98: {  	v29 =	vor.u32 s18, v0;
	v25 =	vadd.f32 v25, v11;
	v11 =	vmul.f32 $4.410000000e+02, v51  }
0x99: {  	v30 =	vcvt.s32.f32 v29;
	v14 =	vmul.f32 $4.410000000e+02, v14;
	v27 =	vsub.f32 $5.120000000e+02, v27  }
0x9a: {  	v37 =	vadd.f32 v15, v20;
	v15 =	vmul.f32 $4.410000000e+02, v10;
	v11 =	vsub.f32 $5.120000000e+02, v11  }
0x9b: {  	v44 =	vmul.f32 v26, v18;
	v14 =	vsub.f32 $5.120000000e+02, v14;
	v20 =	vadd.f32 v30, v27  }
0x9c: {  	v12 =	vmul.f32 v22, v12;
	v22 =	vadd.f32 v13, v19;
	v27 =	vld.idx.msk [tilespmem:v33+s3+$0x0], $0xffff;
	v13 =	vsub.f32 $5.120000000e+02, v15  }
0x9d: {  	v11 =	vadd.f32 v41, v11;
	v10 =	vadd.f32 v50, v14;
	v14 =	vtrunc.f32 v20  }
0x9e: {  	v43 =	vadd.f32 v12, v23;
	v12 =	vadd.f32 v42, v13;
	v14 =	vcvt.f32.s32 v14  }
0x9f: {  	v13 =	vtrunc.f32 v11;
	v15 =	vtrunc.f32 v10  }
0xa0: {  	v18 =	vtrunc.f32 v12;
	v41 =	vcvt.f32.s32 v15  }
0xa1: {  	v15 =	vsub.s32 v14, v29;
	v45 =	vmul.f32 v28, v27;
	v27 =	vcvt.f32.s32 v13  }
0xa2: {  	v28 =	vcvt.f32.s32 v18;
	v30 =	vadd.s32 $0xFFFFFE47, v14;
	v13 =	vadd.s32 $0xFFFFFE01, v15  }
0xa3: {  	v15 =	vadd.s32 $0xFFFFFE00, v15;
	v19 =	vsub.s32 v41, v62;
	v13 =	vshra.s32 v13, $0x1F  }
0xa4: {  	v18 =	vsub.s32 v27, v63;
	v29 =	vsub.s32 v28, v40;
	vm12 =	vlt.s32 v15, $0x0  }
0xa5: {  	v13 =	vand.u32 $0x1B9, v13;
	v23 =	vadd.s32 $0xFFFFFE01, v19;
	v26 =	vadd.s32 $0xFFFFFE01, v18  }
0xa6: {  	v31 =	vadd.s32 $0xFFFFFE01, v29;
	v30 =	vsel vm12, v14, v30;
	v19 =	vadd.s32 $0xFFFFFE00, v19  }
0xa7: {  	v32 =	vadd.s32 $0xFFFFFE00, v18;
	v29 =	vadd.s32 $0xFFFFFE00, v29;
	v13 =	vadd.s32 v13, v14  }
0xa8: {  	v23 =	vshra.s32 v23, $0x1F;
	v14 =	vcvt.s32.f32 v14;
	v13 =	vadd.s32 $0xFFFFFE48, v13  }
0xa9: {  	vm13 =	vlt.s32 v19, $0x0;
	v15 =	vshll.u32 v13, $0x1;
	v13 =	vand.u32 $0x7F, v13  }
0xaa: {  	vm14 =	vlt.s32 v32, $0x0;
	vm15 =	vlt.s32 v29, $0x0;
	v52 =	vsub.s32 v15, v13  }
0xab: {  	s30 =	simm.s32 $0x80;
	v13 =	vshll.u32 v30, $0x1;
	v15 =	vand.u32 $0x7F, v30;
	v30 =	vadd.s32 $0x80, v52  }
0xac: {  	s31 =	sand.u32 $0xFFFFFF00, s30;
	v29 =	vadd.s32 $0xFFFFFE47, v28;
	v53 =	vsub.s32 v13, v15;
	v13 =	vshra.s32 v26, $0x1F  }
0xad: {  	s21 =	sor.u32 s31, s19;
	v15 =	vand.u32 $0x1B9, v23;
	v26 =	vshra.s32 v31, $0x1F;
	v23 =	vadd.s32 $0x80, v53  }
0xae: {  	[tilespmem:s22+$0xC480] =	vst v16;
	s19 =	sor.u32 s25, s31;
	v59 =	vld [tilespmem:s21+$0x480];
	v16 =	vsel vm15, v28, v29;
	v13 =	vand.u32 $0x1B9, v13;
	v26 =	vand.u32 $0x1B9, v26  }
0xaf: {  	v18 =	vld [tilespmem:s19+$0x400];
	v15 =	vadd.s32 v15, v41;
	v13 =	vadd.s32 v13, v27;
	v26 =	vadd.s32 v26, v28  }
0xb0: {  	s23 =	sor.u32 s31, s23;
	v15 =	vadd.s32 $0xFFFFFE48, v15;
	v13 =	vadd.s32 $0xFFFFFE48, v13;
	v26 =	vadd.s32 $0xFFFFFE48, v26;
	v30 =	vld.idx.msk [tilespmem:v30+s3+$0x0], $0xffff  }
0xb1: {  	v19 =	vld [tilespmem:s23+$0x480];
	v31 =	vshll.u32 v15, $0x1;
	v54 =	vand.u32 $0x7F, v15;
	v56 =	vshll.u32 v13, $0x1  }
0xb2: {  	v57 =	vand.u32 $0x7F, v13;
	v58 =	vshll.u32 v26, $0x1;
	v26 =	vand.u32 $0x7F, v26;
	v55 =	vld.idx.msk [tilespmem:v23+s3+$0x0], $0xffff  }
0xb3: {  	v15 =	vld [tilespmem:s19+$0x480];
	v47 =	vsub.s32 v31, v54;
	v33 =	vsub.s32 v56, v57;
	v23 =	vsub.f32 v20, v14  }
0xb4: {  	v13 =	vld [tilespmem:s23+$0x400];
	v32 =	vsub.s32 v58, v26;
	v61 =	vadd.s32 $0x80, v47;
	v14 =	vadd.s32 $0xFFFFFE47, v41  }
0xb5: {  	v31 =	vld [tilespmem:s21+$0x400];
	v20 =	vadd.s32 $0xFFFFFE47, v27;
	v46 =	vmul.f32 v23, v30;
	v30 =	vsub.f32 $1.000000000e+00, v23  }
0xb6: {  	s24 =	sor.u32 s31, s24;
	v38 =	vld.idx.msk [tilespmem:v52+s3+$0x0], $0xffff;
	v63 =	vadd.s32 $0x80, v33;
	v48 =	vadd.s32 $0x80, v32;
	v26 =	vsel vm13, v41, v14  }
0xb7: {  	[tilespmem:s22+$0xC400] =	vst v24;
	v14 =	vld [tilespmem:s24+$0x400];
	v62 =	vsel vm14, v27, v20;
	v60 =	vadd.f32 v46, v59;
	v36 =	vmul.f32 v30, v55  }
0xb8: {  	[tilespmem:s20+$0xC480] =	vst v25;
	v20 =	vld [tilespmem:s24+$0x480];
	v24 =	vshll.u32 v26, $0x1;
	v26 =	vand.u32 $0x7F, v26;
	v25 =	vand.u32 $0x7F, v62  }
0xb9: {  	v29 =	vsub.s32 v24, v26;
	v24 =	vshll.u32 v62, $0x1;
	v49 =	vadd.f32 v36, v60;
	v36 =	vld.idx.msk [tilespmem:v53+s3+$0x0], $0xffff  }
0xba: {  	[tilespmem:s16+$0xC480] =	vst v37;
	v42 =	vcvt.s32.f32 v27;
	v28 =	vcvt.s32.f32 v28;
	v37 =	vld.idx.msk [tilespmem:v47+s3+$0x0], $0xffff;
	v26 =	vsub.s32 v24, v25  }
0xbb: {  	[tilespmem:s17+$0xC480] =	vst v22;
	v24 =	vshll.u32 v16, $0x1;
	v16 =	vand.u32 $0x7F, v16;
	v40 =	vadd.s32 $0x80, v29;
	v35 =	vld.idx.msk [tilespmem:v61+s3+$0x0], $0xffff  }
0xbc: {  	[tilespmem:s20+$0xC400] =	vst v43;
	v41 =	vcvt.s32.f32 v41;
	v24 =	vsub.s32 v24, v16;
	v39 =	vadd.s32 $0x80, v26;
	v25 =	vld.idx.msk [tilespmem:v63+s3+$0x0], $0xffff  }
0xbd: {  	s20 =	simm.s32 $0x4;
	v27 =	vadd.f32 v44, v17;
	v17 =	vadd.f32 v45, v21;
	v16 =	vld.idx.msk [tilespmem:v48+s3+$0x0], $0xffff;
	v34 =	vadd.s32 $0x80, v24;
	[tilespmem:s21+$0xC480] =	vst v49  }
.LBB2_2:
0xbe: {  	s20 =	sadd.s32 $0x4, s20;
	v10 =	vsub.f32 v10, v41;
	v11 =	vsub.f32 v11, v42;
	v21 =	vld.idx.msk [tilespmem:v33+s3+$0x0], $0xffff;
	v22 =	vmul.f32 v30, v36  }
0xbf: {  	v23 =	vmul.f32 v23, v38;
	s22 =	sshll.u32 s20, $0x4;
	p0 =	slt.u32 s20, $0x3FC;
	v12 =	vsub.f32 v12, v28;
	v28 =	vld.idx.msk [tilespmem:v32+s3+$0x0], $0xffff;
	[tilespmem:s16+$0xC400] =	vst v27;
	s16 =	smov.u32 s23  }
0xc0: {  	s18 =	sadd.s32 $0x40, s18;
	s22 =	sand.u32 $0x3FFFFF80, s22;
	v27 =	vld.idx.msk [tilespmem:v40+s3+$0x0], $0xffff;
	v30 =	vsub.f32 $1.000000000e+00, v10;
	v32 =	vmul.f32 v10, v37;
	v33 =	vsub.f32 $1.000000000e+00, v11;
	[tilespmem:s17+$0xC400] =	vst v17;
	s17 =	smov.u32 s24  }
0xc1: {  	s23 =	sadd.s32 $0xFFFFFFD0, s18;
	v10 =	vmul.f32 v10, v35;
	v23 =	vadd.f32 v23, v31;
	s26 =	sadd.s32 $0x8400, s22;
	s22 =	sand.u32 $0x70, s18;
	v17 =	vld.idx.msk [tilespmem:v39+s3+$0x0], $0xffff;
	v35 =	vsub.f32 $1.000000000e+00, v12  }
0xc2: {  	s28 =	sadd.s32 $0xFFFFFFF0, s18;
	v31 =	vor.u32 s23, v0;
	s24 =	sadd.s32 $0xFFFFFFE0, s18;
	v25 =	vmul.f32 v11, v25;
	s29 =	sor.u32 s22, s26;
	v18 =	vadd.f32 v32, v18;
	v32 =	vld.idx.msk [tilespmem:v34+s3+$0x0], $0xffff  }
0xc3: {  	s23 =	sand.u32 $0x40, s23;
	v37 =	vor.u32 s28, v0;
	s25 =	sand.u32 $0x50, s24;
	v36 =	vor.u32 s24, v0;
	s24 =	sand.u32 $0x60, s28;
	v34 =	vcvt.s32.f32 v31;
	v38 =	vld [tilespmem:s29+$0x0]  }
0xc4: {  	v40 =	vcvt.s32.f32 v37;
	s28 =	sor.u32 s23, s26;
	v39 =	vcvt.s32.f32 v36;
	v10 =	vadd.f32 v10, v15;
	s29 =	sor.u32 s25, s26;
	s26 =	sor.u32 s24, s26;
	v29 =	vld.idx.msk [tilespmem:v29+s3+$0x0], $0xffff  }
0xc5: {  	v11 =	vmul.f32 v11, v21;
	v19 =	vadd.f32 v25, v19;
	v21 =	vmul.f32 v12, v16;
	v15 =	vld [tilespmem:s28+$0x0]  }
0xc6: {  	v22 =	vadd.f32 v22, v23;
	v12 =	vmul.f32 v12, v28;
	v27 =	vmul.f32 v30, v27;
	v25 =	vld [tilespmem:s29+$0x0]  }
0xc7: {  	v16 =	vadd.f32 v11, v13;
	v13 =	vadd.f32 v21, v20;
	v11 =	vmul.f32 v33, v17;
	v23 =	vld [tilespmem:s26+$0x0]  }
0xc8: {  	v17 =	vadd.f32 v12, v14;
	v12 =	vmul.f32 v35, v32;
	v20 =	vmul.f32 $4.410000000e+02, v38;
	v21 =	vld.idx.msk [tilespmem:v26+s3+$0x0], $0xffff;
	[tilespmem:s21+$0xC400] =	vst v22  }
0xc9: {  	v14 =	vor.u32 s18, v0;
	v10 =	vadd.f32 v27, v10;
	v11 =	vadd.f32 v11, v19;
	v19 =	vld.idx.msk [tilespmem:v24+s3+$0x0], $0xffff  }
0xca: {  	v22 =	vcvt.s32.f32 v14;
	v15 =	vmul.f32 $4.410000000e+02, v15;
	v20 =	vsub.f32 $5.120000000e+02, v20  }
0xcb: {  	v24 =	vmul.f32 $4.410000000e+02, v25;
	v25 =	vmul.f32 v30, v29;
	[tilespmem:s19+$0xC480] =	vst v10;
	v10 =	vadd.f32 v12, v13  }
0xcc: {  	v12 =	vsub.f32 $5.120000000e+02, v15;
	v13 =	vmul.f32 $4.410000000e+02, v23;
	v15 =	vadd.f32 v22, v20;
	[tilespmem:s16+$0xC480] =	vst v11  }
0xcd: {  	v11 =	vsub.f32 $5.120000000e+02, v24;
	v18 =	vadd.f32 v25, v18;
	[tilespmem:s17+$0xC480] =	vst v10  }
0xce: {  	v10 =	vadd.f32 v34, v12;
	v12 =	vsub.f32 $5.120000000e+02, v13;
	v13 =	vtrunc.f32 v15  }
0xcf: {  	v21 =	vmul.f32 v33, v21;
	v11 =	vadd.f32 v39, v11;
	v13 =	vcvt.f32.s32 v13;
	[tilespmem:s19+$0xC400] =	vst v18  }
0xd0: {  	v22 =	vmul.f32 v35, v19;
	v18 =	vtrunc.f32 v10;
	v12 =	vadd.f32 v40, v12  }
0xd1: {  	v25 =	vcvt.f32.s32 v18;
	v18 =	vtrunc.f32 v11;
	v14 =	vsub.s32 v13, v14  }
0xd2: {  	v27 =	vcvt.f32.s32 v18;
	v18 =	vtrunc.f32 v12;
	v19 =	vadd.s32 $0xFFFFFE01, v14  }
0xd3: {  	v20 =	vsub.s32 v25, v31;
	v28 =	vcvt.f32.s32 v18;
	v18 =	vshra.s32 v19, $0x1F  }
0xd4: {  	v19 =	vadd.s32 $0xFFFFFE01, v20;
	v23 =	vsub.s32 v27, v36;
	v18 =	vand.u32 $0x1B9, v18  }
0xd5: {  	v24 =	vadd.s32 $0xFFFFFE01, v23;
	v26 =	vsub.s32 v28, v37;
	v18 =	vadd.s32 v18, v13  }
0xd6: {  	v29 =	vadd.s32 $0xFFFFFE47, v13;
	v14 =	vadd.s32 $0xFFFFFE00, v14;
	v18 =	vadd.s32 $0xFFFFFE48, v18  }
0xd7: {  	vm0 =	vlt.s32 v14, $0x0;
	v14 =	vshll.u32 v18, $0x1;
	v18 =	vand.u32 $0x7F, v18  }
0xd8: {  	v29 =	vsel vm0, v13, v29;
	v30 =	vadd.s32 $0xFFFFFE01, v26;
	v34 =	vsub.s32 v14, v18  }
0xd9: {  	v14 =	vshll.u32 v29, $0x1;
	v18 =	vand.u32 $0x7F, v29;
	v29 =	vadd.s32 $0x80, v34  }
0xda: {  	v19 =	vshra.s32 v19, $0x1F;
	v24 =	vshra.s32 v24, $0x1F;
	v35 =	vsub.s32 v14, v18  }
0xdb: {  	v14 =	vand.u32 $0x1B9, v19;
	v18 =	vshra.s32 v30, $0x1F;
	v19 =	vadd.s32 $0x80, v35  }
0xdc: {  	v24 =	vand.u32 $0x1B9, v24;
	v14 =	vadd.s32 v14, v25;
	v18 =	vand.u32 $0x1B9, v18  }
0xdd: {  	v24 =	vadd.s32 v24, v27;
	v14 =	vadd.s32 $0xFFFFFE48, v14;
	v18 =	vadd.s32 v18, v28  }
0xde: {  	s19 =	sshll.u32 s20, $0x5;
	v20 =	vadd.s32 $0xFFFFFE00, v20;
	v24 =	vadd.s32 $0xFFFFFE48, v24;
	v18 =	vadd.s32 $0xFFFFFE48, v18;
	v29 =	vld.idx.msk [tilespmem:v29+s3+$0x0], $0xffff  }
0xdf: {  	s26 =	sand.u32 $0xFFFFFF00, s19;
	v23 =	vadd.s32 $0xFFFFFE00, v23;
	v26 =	vadd.s32 $0xFFFFFE00, v26;
	v31 =	vshll.u32 v14, $0x1  }
0xe0: {  	s19 =	sor.u32 s23, s26;
	s23 =	sor.u32 s26, s25;
	s21 =	sor.u32 s26, s22;
	v13 =	vcvt.s32.f32 v13;
	v32 =	vshll.u32 v24, $0x1;
	v14 =	vand.u32 $0x7F, v14;
	v36 =	vld.idx.msk [tilespmem:v19+s3+$0x0], $0xffff  }
0xe1: {  	s24 =	sor.u32 s26, s24;
	v37 =	vand.u32 $0x7F, v18;
	v19 =	vand.u32 $0x7F, v24;
	v24 =	vshll.u32 v18, $0x1;
	v38 =	vld [tilespmem:s21+$0x480]  }
0xe2: {  	vm0 =	vlt.s32 v20, $0x0;
	vm1 =	vlt.s32 v23, $0x0;
	v23 =	vsub.f32 v15, v13;
	v18 =	vld [tilespmem:s19+$0x400]  }
0xe3: {  	v39 =	vadd.s32 $0xFFFFFE47, v27;
	v20 =	vadd.s32 $0xFFFFFE47, v25;
	vm2 =	vlt.s32 v26, $0x0;
	v15 =	vld [tilespmem:s19+$0x480]  }
0xe4: {  	v26 =	vadd.s32 $0xFFFFFE47, v28;
	v30 =	vsub.f32 $1.000000000e+00, v23;
	v29 =	vmul.f32 v23, v29;
	v13 =	vld [tilespmem:s23+$0x400]  }
0xe5: {  	v40 =	vsub.s32 v31, v14;
	v33 =	vsub.s32 v32, v19;
	v32 =	vsub.s32 v24, v37;
	v19 =	vld [tilespmem:s23+$0x480]  }
0xe6: {  	v24 =	vsel vm0, v25, v20;
	v36 =	vmul.f32 v30, v36;
	v14 =	vld [tilespmem:s24+$0x400];
	v29 =	vadd.f32 v29, v38  }
0xe7: {  	v26 =	vsel vm2, v28, v26;
	v41 =	vadd.s32 $0x80, v40;
	v37 =	vsel vm1, v27, v39;
	v20 =	vld [tilespmem:s24+$0x480]  }
0xe8: {  	v43 =	vadd.s32 $0x80, v33;
	v44 =	vadd.s32 $0x80, v32;
	v31 =	vld [tilespmem:s21+$0x400];
	v29 =	vadd.f32 v36, v29  }
0xe9: {  	v39 =	vshll.u32 v24, $0x1;
	v24 =	vand.u32 $0x7F, v24;
	v42 =	vshll.u32 v37, $0x1;
	v36 =	vld.idx.msk [tilespmem:v35+s3+$0x0], $0xffff  }
.Ltmp0:
0xea: {  	v45 =	vshll.u32 v26, $0x1;
	v46 =	vand.u32 $0x7F, v26;
	v35 =	vand.u32 $0x7F, v37;
	v38 =	vld.idx.msk [tilespmem:v34+s3+$0x0], $0xffff;
	[tilespmem:s21+$0xC480] =	vst v29;
	(pc) =	sbr.rel @p0 .LBB2_2-.Ltmp0, $4  }
0xeb: {  	v29 =	vsub.s32 v39, v24;
	v26 =	vsub.s32 v42, v35;
	v24 =	vsub.s32 v45, v46;
	v37 =	vld.idx.msk [tilespmem:v40+s3+$0x0], $0xffff  }
0xec: {  	v40 =	vadd.s32 $0x80, v29;
	v39 =	vadd.s32 $0x80, v26;
	v34 =	vadd.s32 $0x80, v24;
	v35 =	vld.idx.msk [tilespmem:v41+s3+$0x0], $0xffff  }
0xed: {  	v42 =	vcvt.s32.f32 v27;
	v27 =	vadd.f32 v21, v16;
	v41 =	vcvt.s32.f32 v25;
	v25 =	vld.idx.msk [tilespmem:v43+s3+$0x0], $0xffff  }
0xee: {  	v17 =	vadd.f32 v22, v17;
	v28 =	vcvt.s32.f32 v28;
	v16 =	vld.idx.msk [tilespmem:v44+s3+$0x0], $0xffff  }
0xef: {  	_ =	sdelay $0x3  }
0xf0: {  	v21 =	vld.idx.msk [tilespmem:v33+s3+$0x0], $0xffff  }
0xf1: {  	v22 =	vld.idx.msk [tilespmem:v32+s3+$0x0], $0xffff;
	v10 =	vsub.f32 v10, v41  }
0xf2: {  	v11 =	vsub.f32 v11, v42;
	v48 =	vld.idx.msk [tilespmem:v40+s3+$0x0], $0xffff  }
0xf3: {  	v23 =	vmul.f32 v23, v38;
	v49 =	vld.idx.msk [tilespmem:v39+s3+$0x0], $0xffff;
	v12 =	vsub.f32 v12, v28;
	v50 =	vsub.f32 $1.000000000e+00, v10  }
0xf4: {  	v34 =	vld.idx.msk [tilespmem:v34+s3+$0x0], $0xffff;
	v51 =	vmul.f32 v10, v37;
	v52 =	vsub.f32 $1.000000000e+00, v11;
	v10 =	vmul.f32 v10, v35  }
0xf5: {  	v30 =	vmul.f32 v30, v36;
	v29 =	vld.idx.msk [tilespmem:v29+s3+$0x0], $0xffff;
	v23 =	vadd.f32 v23, v31;
	v53 =	vsub.f32 $1.000000000e+00, v12  }
0xf6: {  	v54 =	vld.idx.msk [tilespmem:v26+s3+$0x0], $0xffff;
	v25 =	vmul.f32 v11, v25;
	v18 =	vadd.f32 v51, v18;
	v10 =	vadd.f32 v10, v15  }
0xf7: {  	v24 =	vld.idx.msk [tilespmem:v24+s3+$0x0], $0xffff;
	v55 =	vmul.f32 v12, v16;
	v23 =	vadd.f32 v30, v23;
	v56 =	vmul.f32 v50, v48  }
0xf8: {  	[tilespmem:s16+$0xC400] =	vst v27;
	v11 =	vmul.f32 v11, v21;
	v19 =	vadd.f32 v25, v19;
	v57 =	vmul.f32 v52, v49  }
0xf9: {  	[tilespmem:s17+$0xC400] =	vst v17;
	v58 =	vmul.f32 v53, v34;
	v15 =	vadd.f32 v55, v20;
	v10 =	vadd.f32 v56, v10  }
0xfa: {  	v12 =	vmul.f32 v12, v22;
	v60 =	vmul.f32 v50, v29;
	[tilespmem:s21+$0xC400] =	vst v23;
	v59 =	vadd.f32 v57, v19  }
0xfb: {  	v61 =	vmul.f32 v52, v54;
	v11 =	vadd.f32 v11, v13;
	[tilespmem:s19+$0xC480] =	vst v10;
	v10 =	vadd.f32 v58, v15  }
0xfc: {  	v63 =	vmul.f32 v53, v24;
	v12 =	vadd.f32 v12, v14;
	v62 =	vadd.f32 v60, v18;
	[tilespmem:s23+$0xC480] =	vst v59  }
0xfd: {  	[tilespmem:s24+$0xC480] =	vst v10;
	v10 =	vadd.f32 v61, v11  }
0xfe: {  	s15 =	sadd.s32 $0x1, s15;
	[tilespmem:s19+$0xC400] =	vst v62;
	v11 =	vadd.f32 v63, v12  }
0xff: {  	p0 =	sne.s32 s15, s6;
	[tilespmem:s23+$0xC400] =	vst v10  }
.Ltmp1:
0x100: {  	[tilespmem:s24+$0xC400] =	vst v11;
	(pc) =	sbr.rel @p0 .LBB2_1-.Ltmp1, $4  }
0x101: {  	[hbm4b:s5+s3] =	stream.linear.scatter [tilespmem:s13], [sflag:$0x3], $0x8000, $0x38;
	[tilespmem:$0x14480] =	vst v63  }
0x102: {  	_ =	swait.ge [sflag:s14], $0x8000  }
0x103: {  	[sflag:s14] =	ssyncset.done $0x0  }
0x104: {  	[sflag:s14] =	ssyncadd.s32 $0xFFFF8000  }
0x105: {  	_ =	sfence.sel $0x180000  }
0x106: {  	[bflag:$0x0] =	sbarrier.arrive $0xFFFF  }
0x107: {  	p0 =	sne.s32 s1, $0x0;
	_ =	strace $0x90000047  }
0x108: {  	s0 =	sadd.s32 @!p0 $0x100000, s0;
	[bflag:$0x2] =	sbarrier.arrive $0xFFFF  }
0x109: {  	[sflag:s0] =	ssyncadd.tile.s32 @!p0 $0x1;
	_ =	shalt  }
.Lfunc_end2:
_tile_overlayer_lowered:
.L_overlay_start_2:
0x10a: {  	(tag) =	ssettag $0x2  }
0x10b: {  	s0 =	rddreg [dreg:$0x0];
	s2 =	stileid.u32  }
0x10c: {  	s1 =	rddreg [dreg:$0x1];
	p0 =	sne.s32 s2, $0x0  }
0x10d: {  	s3 =	rddreg [dreg:$0x2];
	[bflag:$0x3] =	sbarrier.arrive $0xFFFF;
	s2 =	simm.s32 @!p0 $0x1C04  }
0x10e: {  	[timem:s3], [sflag:s2] =	dma.local @!p0 [hbm:s0], s1  }
0x10f: {  	s0 =	simm.s32 @!p0 $0x4  }
0x110: {  	_ =	swait.ge @!p0 [sflag:s0], s1  }
0x111: {  	s1 =	ssub.s32 @!p0 $0x0, s1;
	[sflag:s0] =	ssyncset.done @!p0 $0x0  }
0x112: {  	[sflag:s0] =	ssyncadd.s32 @!p0 s1  }
0x113: {  	[bflag:$0x3] =	sbarrier.arrive $0xFFFF  }
0x114: {  	_ =	shalt  }

</sc_bundles>
